<compile_context>
chip_gen: v7x
topology: tpu7x:2x2x1
jax: 0.10.2.dev20260603
libtpu: 0.0.44.dev20260713+nightly
codegen_flags: <defaults>
</compile_context>

<pallas_src>
import jax
import jax.numpy as jnp
from jax import lax
from jax.experimental import pallas as pl
from jax.experimental.pallas import tpu as pltpu
from jax.experimental.pallas import tpu_sc as plsc

B = 16
N = 4096
C = 64
T = N // 2
R = 1024
UNM = T - R
TT = 256
NT = T // TT
OUT_ROWS = UNM + T
COMB_ROWS = OUT_ROWS + 8


def _tc_body(pts_ref, met_ref, srcs_ref, dsts_ref, cidx_ref):
    src = pts_ref[0, :, 0:64]
    dst = pts_ref[0, :, 64:128]
    b_n = met_ref[0, :, 64:128]

    ones_col = jnp.ones((T, 1), jnp.float32)

    vmax_parts = []
    nidx_parts = []
    for tt in range(NT):
        a_n = met_ref[0, tt * TT:(tt + 1) * TT, 0:64]
        raw = jax.lax.dot_general(
            a_n, b_n, (((1,), (1,)), ((), ())),
            preferred_element_type=jnp.float32)
        m = jnp.max(raw, axis=1)
        nidx = jnp.argmax(raw, axis=1)
        vmax_parts.append(m)
        nidx_parts.append(nidx.astype(jnp.int32))

    vrow = jnp.concatenate([p[None, :] for p in vmax_parts], axis=1)
    jrow = jax.lax.broadcasted_iota(jnp.int32, (1, T), 1)

    rank_parts = []
    for tt in range(NT):
        vcol = vmax_parts[tt][:, None]
        icol = (jax.lax.broadcasted_iota(jnp.int32, (TT, 1), 0)
                + tt * TT)
        pred = (vrow > vcol) | ((vrow == vcol) & (jrow < icol))
        rank_f = jax.lax.dot_general(
            pred.astype(jnp.float32), ones_col, (((1,), (0,)), ((), ())),
            preferred_element_type=jnp.float32)
        rank_parts.append(rank_f[:, 0].astype(jnp.int32))

    cidx_parts = []
    for tt in range(NT):
        keep = rank_parts[tt] < R
        cidx_parts.append(
            jnp.where(keep, UNM + nidx_parts[tt], rank_parts[tt] - R))
    cidx_row = jnp.concatenate([p[None, :] for p in cidx_parts], axis=1)

    invc_parts = []
    for tt in range(NT):
        dcol = (jax.lax.broadcasted_iota(jnp.int32, (TT, 1), 0)
                + tt * TT + UNM)
        eq_f = (cidx_row == dcol).astype(jnp.float32)
        cnt = 1.0 + jax.lax.dot_general(
            eq_f, ones_col, (((1,), (0,)), ((), ())),
            preferred_element_type=jnp.float32)[:, 0]
        invc_parts.append(1.0 / cnt)
    invc_row = jnp.concatenate([p[None, :] for p in invc_parts], axis=1)

    zpad = jnp.zeros((TT, C), jnp.float32)
    for tt in range(NT):
        nidx_col = nidx_parts[tt][:, None]
        w = jnp.sum(jnp.where(jrow == nidx_col, invc_row, 0.0), axis=1)
        keep = rank_parts[tt] < R
        w = jnp.where(keep, w, 1.0)
        srcs_ref[0, tt * TT:(tt + 1) * TT, :] = jnp.concatenate(
            [src[tt * TT:(tt + 1) * TT, :] * w[:, None], zpad], axis=1)
        dsts_ref[0, tt * TT:(tt + 1) * TT, :] = jnp.concatenate(
            [dst[tt * TT:(tt + 1) * TT, :] * invc_parts[tt][:, None], zpad],
            axis=1)
        cidx_ref[0, tt * 2:(tt + 1) * 2, :] = (
            cidx_parts[tt].astype(jnp.int32).reshape(2, 128))


def _tc_stage(pts2, met2, interpret=False):
    nb = pts2.shape[0]
    return pl.pallas_call(
        _tc_body,
        grid=(nb,),
        in_specs=[pl.BlockSpec((1, T, 2 * C), lambda b: (b, 0, 0)),
                  pl.BlockSpec((1, T, 2 * C), lambda b: (b, 0, 0))],
        out_specs=[
            pl.BlockSpec((1, T, 2 * C), lambda b: (b, 0, 0)),
            pl.BlockSpec((1, T, 2 * C), lambda b: (b, 0, 0)),
            pl.BlockSpec((1, 16, 128), lambda b: (b, 0, 0)),
        ],
        out_shape=[
            jax.ShapeDtypeStruct((nb, T, 2 * C), jnp.float32),
            jax.ShapeDtypeStruct((nb, T, 2 * C), jnp.float32),
            jax.ShapeDtypeStruct((nb, 16, 128), jnp.int32),
        ],
        interpret=interpret,
    )(pts2, met2)


Q = 4
W = T // Q
UQ = UNM // Q
OQ = OUT_ROWS // Q


def _sc_body(srcs_hbm, dsts_hbm, cidx_hbm, zero_hbm, out_hbm,
             cidx_v, rows_v, comb_sh):
    c = lax.axis_index("c")
    s = lax.axis_index("s")
    bb = s // Q
    q = s % Q

    for rd in range(2):
        b = c * 8 + rd * 4 + bb

        pltpu.sync_copy(zero_hbm, comb_sh.at[bb, pl.ds(q * UQ, UQ)])
        pltpu.sync_copy(dsts_hbm.at[b, pl.ds(q * W, W)],
                        comb_sh.at[bb, pl.ds(UNM + q * W, W)])
        pltpu.sync_copy(cidx_hbm.at[b, pl.ds(q * 4, 4)], cidx_v)
        plsc.subcore_barrier()

        for ch in range(4):
            pltpu.sync_copy(srcs_hbm.at[b, pl.ds(q * W + ch * 128, 128)],
                            rows_v)
            pltpu.sync_copy(rows_v, comb_sh.at[bb].at[cidx_v.at[ch]],
                            add=True)
        plsc.subcore_barrier()

        pltpu.sync_copy(comb_sh.at[bb, pl.ds(q * OQ, OQ)],
                        out_hbm.at[b, pl.ds(q * OQ, OQ)])
        if rd == 0:
            plsc.subcore_barrier()


def _sc_stage(srcs, dsts, cidx, zeros):
    nb = srcs.shape[0]
    mesh = plsc.VectorSubcoreMesh(core_axis_name="c", subcore_axis_name="s")
    return pl.kernel(
        _sc_body,
        out_type=jax.ShapeDtypeStruct((nb, OUT_ROWS, 2 * C), jnp.float32),
        mesh=mesh,
        scratch_types=[
            pltpu.VMEM((4, 128), jnp.int32),
            pltpu.VMEM((128, 2 * C), jnp.float32),
            pltpu.VMEM_SHARED((4, COMB_ROWS, 2 * C), jnp.float32),
        ],
        compiler_params=pltpu.CompilerParams(use_tc_tiling_on_sc=True),
    )(srcs, dsts, cidx, zeros)


@jax.jit
def kernel(points):
    metric = points / jnp.linalg.norm(points, axis=-1, keepdims=True)
    pts2 = points.reshape(B, T, 2 * C)
    met2 = metric.reshape(B, T, 2 * C)
    srcs, dsts, cidx = _tc_stage(pts2, met2)
    zeros = jnp.zeros((UQ, 2 * C), jnp.float32)
    out2 = _sc_stage(srcs, dsts, cidx, zeros)
    return out2[:, :, :C]

# --- scband reference (transcript-rebuilt; emitter-appended) ---
"""Pipeline reference for scband-merge-24300924961395 (READ-ONLY COPY).

The authoritative reference and input builder live on the scoring server;
editing this copy changes nothing except your own understanding.
"""

import jax, jax.numpy as jnp
import numpy as np

NPOINT = 3072
COMPRESS = False


def setup_inputs(seed: int = 0) -> dict:
    key = jax.random.key(seed)
    points = jax.random.normal(key, (16, 4096, 64), dtype=jnp.float32)
    return {"points": points}


def _matching(points, r):
    # ToMe bipartite soft matching (indices only; mirrors torch.no_grad block)
    metric = points / jnp.linalg.norm(points, axis=-1, keepdims=True)
    a = metric[:, ::2, :]
    b = metric[:, 1::2, :]
    scores = jnp.einsum('btc,bsc->bts', a, b)
    node_max = jnp.max(scores, axis=-1)
    node_idx = jnp.argmax(scores, axis=-1)
    edge_idx = jnp.argsort(-node_max, axis=-1)  # descending
    unm_idx = edge_idx[:, r:]
    src_idx = edge_idx[:, :r]
    dst_idx = jnp.take_along_axis(node_idx, src_idx, axis=-1)
    return unm_idx, src_idx, dst_idx


def _merge(x, unm_idx, src_idx, dst_idx):
    src = x[:, ::2, :]
    dst = x[:, 1::2, :]
    B, t2, C = dst.shape
    unm = jnp.take_along_axis(src, unm_idx[..., None], axis=1)
    src_sel = jnp.take_along_axis(src, src_idx[..., None], axis=1)
    bidx = jnp.arange(B)[:, None]
    # scatter_reduce(reduce='mean', include_self=True)
    summed = dst.at[bidx, dst_idx, :].add(src_sel)
    cnt = jnp.ones((B, t2), dtype=x.dtype).at[bidx, dst_idx].add(1.0)
    dst_m = summed / cnt[..., None]
    return jnp.concatenate([unm, dst_m], axis=1)


def _unmerge(x, unm_idx, src_idx, dst_idx, N):
    unm_len = unm_idx.shape[1]
    unm = x[:, :unm_len, :]
    dst = x[:, unm_len:, :]
    B, _, C = unm.shape
    src = jnp.take_along_axis(dst, dst_idx[..., None], axis=1)
    out = jnp.zeros((B, N, C), dtype=x.dtype)
    out = out.at[:, 1::2, :].set(dst)
    bidx = jnp.arange(B)[:, None]
    out = out.at[bidx, 2 * unm_idx, :].set(unm)
    out = out.at[bidx, 2 * src_idx, :].set(src)
    return out


def reference(points):
    B, N, C = points.shape
    r = min(N - NPOINT, N // 2)
    unm_idx, src_idx, dst_idx = _matching(points, r)
    merged = _merge(points, unm_idx, src_idx, dst_idx)
    if COMPRESS:
        compressed = _unmerge(merged, unm_idx, src_idx, dst_idx, N)
        return (merged, compressed)
    # compress=False -> torch module returns (merged, None); return merged array
    return merged

if __name__ == "__main__":
    import jax
    _d = setup_inputs()
    print(jax.jit(kernel)(*tuple(_d.values())))

</pallas_src>

<mosaic_0001>
#map = affine_map<(d0, d1) -> (0, 0, 0)>
#map1 = affine_map<(d0, d1) -> (0, 0)>
module attributes {stable_mosaic.version = 14 : i64} {
  func.func @_sc_body(%arg0: i32, %arg1: i32, %arg2: memref<16x2048x128xf32, #tpu.memory_space<hbm>>, %arg3: memref<16x2048x128xf32, #tpu.memory_space<hbm>>, %arg4: memref<16x16x128xi32, #tpu.memory_space<hbm>>, %arg5: memref<256x128xf32, #tpu.memory_space<hbm>>, %arg6: memref<16x3072x128xf32, #tpu.memory_space<hbm>>, %arg7: memref<4x128xi32, #tpu.memory_space<vmem>>, %arg8: memref<128x128xf32, #tpu.memory_space<vmem>>, %arg9: memref<4x3080x128xf32, #tpu.memory_space<vmem_shared>>) attributes {dimension_semantics = [#tpu.dimension_semantics<core_parallel>, #tpu.dimension_semantics<subcore_parallel>], iteration_bounds = array<i64: 2, 16>, scalar_prefetch = 0 : i64, scratch_operands = 3 : i64, tpu.core_type = #tpu.core_type<sc_vector_subcore>, window_params = [{transform_indices = #map}, {transform_indices = #map}, {transform_indices = #map}, {transform_indices = #map1}, {transform_indices = #map}]} {
    %jit3A = arith.constant 4 : i32
    %div3A = arith.divsi %arg1, %jit3A : i32
    %sign3A = arith.constant 0 : i32
    %sign3A_0 = arith.cmpi sgt, %arg1, %sign3A : i32
    %sign3A_1 = arith.extui %sign3A_0 : i1 to i32
    %sign3A_2 = arith.constant 0 : i32
    %sign3A_3 = arith.cmpi slt, %arg1, %sign3A_2 : i32
    %sign3A_4 = arith.extui %sign3A_3 : i1 to i32
    %sign3A_5 = arith.subi %sign3A_1, %sign3A_4 : i32
    %sign3A_6 = arith.constant 0 : i32
    %sign3A_7 = arith.cmpi sgt, %jit3A, %sign3A_6 : i32
    %sign3A_8 = arith.extui %sign3A_7 : i1 to i32
    %sign3A_9 = arith.constant 0 : i32
    %sign3A_10 = arith.cmpi slt, %jit3A, %sign3A_9 : i32
    %sign3A_11 = arith.extui %sign3A_10 : i1 to i32
    %sign3A_12 = arith.subi %sign3A_8, %sign3A_11 : i32
    %ne3A = arith.cmpi ne, %sign3A_5, %sign3A_12 : i32
    %rem3A = arith.remsi %arg1, %jit3A : i32
    %ne3A_13 = arith.constant 0 : i32
    %ne3A_14 = arith.cmpi ne, %rem3A, %ne3A_13 : i32
    %and3A = arith.andi %ne3A, %ne3A_14 : i1
    %sub3A = arith.constant 1 : i32
    %sub3A_15 = arith.subi %div3A, %sub3A : i32
    %select_n3A = arith.select %and3A, %sub3A_15, %div3A : i32
    %jit3A_16 = arith.constant 4 : i32
    %eq3A = arith.constant 0 : i32
    %eq3A_17 = arith.cmpi eq, %jit3A_16, %eq3A : i32
    %jit3A_18 = arith.constant 1 : i32
    %select_n3A_19 = arith.select %eq3A_17, %jit3A_18, %jit3A_16 : i32
    %rem3A_20 = arith.remsi %arg1, %select_n3A_19 : i32
    %ne3A_21 = arith.constant 0 : i32
    %ne3A_22 = arith.cmpi ne, %rem3A_20, %ne3A_21 : i32
    %lt3A = arith.constant 0 : i32
    %lt3A_23 = arith.cmpi slt, %rem3A_20, %lt3A : i32
    %lt3A_24 = arith.constant 0 : i32
    %lt3A_25 = arith.cmpi slt, %select_n3A_19, %lt3A_24 : i32
    %ne3A_26 = arith.xori %lt3A_23, %lt3A_25 : i1
    %and3A_27 = arith.andi %ne3A_26, %ne3A_22 : i1
    %add3A = arith.addi %rem3A_20, %select_n3A_19 : i32
    %select_n3A_28 = arith.select %and3A_27, %add3A, %rem3A_20 : i32
    %mul3A = arith.constant 8 : i32
    %mul3A_29 = arith.muli %arg0, %mul3A : i32
    %add3A_30 = arith.constant 0 : i32
    %add3A_31 = arith.addi %mul3A_29, %add3A_30 : i32
    %add3A_32 = arith.addi %add3A_31, %select_n3A : i32
    %mul3A_33 = arith.constant 256 : i32
    %mul3A_34 = arith.muli %select_n3A_28, %mul3A_33 : i32
    "tpu.region"() ({
      %run_scoped3A_109 = tpu.sem_alloc : memref<!tpu.dma_semaphore, #tpu.memory_space<semaphore_mem>>
      %dma_start3A = arith.constant 0 : i32
      %dma_start3A_110 = tpu.memref_slice %arg9[%select_n3A, %mul3A_34, %dma_start3A] : memref<4x3080x128xf32, #tpu.memory_space<vmem_shared>> -> memref<1x256x128xf32, #tpu.memory_space<vmem_shared>>
      %dma_start3A_111 = tpu.memref_squeeze %dma_start3A_110 : memref<1x256x128xf32, #tpu.memory_space<vmem_shared>> -> memref<256x128xf32, #tpu.memory_space<vmem_shared>>
      tpu.enqueue_dma source(%arg5 : memref<256x128xf32, #tpu.memory_space<hbm>>) target(%dma_start3A_111 : memref<256x128xf32, #tpu.memory_space<vmem_shared>>) target_semaphore(%run_scoped3A_109 : memref<!tpu.dma_semaphore, #tpu.memory_space<semaphore_mem>>)
      %dma_wait3A = arith.constant 0 : i32
      %dma_wait3A_112 = tpu.memref_slice %arg9[%select_n3A, %mul3A_34, %dma_wait3A] : memref<4x3080x128xf32, #tpu.memory_space<vmem_shared>> -> memref<1x256x128xf32, #tpu.memory_space<vmem_shared>>
      %dma_wait3A_113 = tpu.memref_squeeze %dma_wait3A_112 : memref<1x256x128xf32, #tpu.memory_space<vmem_shared>> -> memref<256x128xf32, #tpu.memory_space<vmem_shared>>
      tpu.wait_dma2 semaphore(%run_scoped3A_109 : memref<!tpu.dma_semaphore, #tpu.memory_space<semaphore_mem>>) src(%arg5 : memref<256x128xf32, #tpu.memory_space<hbm>>) dst(%dma_wait3A_113 : memref<256x128xf32, #tpu.memory_space<vmem_shared>>)
      tpu.yield
    }) : () -> ()
    %mul3A_35 = arith.constant 512 : i32
    %mul3A_36 = arith.muli %select_n3A_28, %mul3A_35 : i32
    %mul3A_37 = arith.constant 512 : i32
    %mul3A_38 = arith.muli %select_n3A_28, %mul3A_37 : i32
    %add3A_39 = arith.constant 1024 : i32
    %add3A_40 = arith.addi %add3A_39, %mul3A_38 : i32
    "tpu.region"() ({
      %run_scoped3A_109 = tpu.sem_alloc : memref<!tpu.dma_semaphore, #tpu.memory_space<semaphore_mem>>
      %dma_start3A = arith.constant 0 : i32
      %dma_start3A_110 = tpu.memref_slice %arg9[%select_n3A, %add3A_40, %dma_start3A] : memref<4x3080x128xf32, #tpu.memory_space<vmem_shared>> -> memref<1x512x128xf32, #tpu.memory_space<vmem_shared>>
      %dma_start3A_111 = tpu.memref_squeeze %dma_start3A_110 : memref<1x512x128xf32, #tpu.memory_space<vmem_shared>> -> memref<512x128xf32, #tpu.memory_space<vmem_shared>>
      %dma_start3A_112 = arith.constant 0 : i32
      %dma_start3A_113 = tpu.memref_slice %arg3[%add3A_32, %mul3A_36, %dma_start3A_112] : memref<16x2048x128xf32, #tpu.memory_space<hbm>> -> memref<1x512x128xf32, #tpu.memory_space<hbm>>
      %dma_start3A_114 = tpu.memref_squeeze %dma_start3A_113 : memref<1x512x128xf32, #tpu.memory_space<hbm>> -> memref<512x128xf32, #tpu.memory_space<hbm>>
      tpu.enqueue_dma source(%dma_start3A_114 : memref<512x128xf32, #tpu.memory_space<hbm>>) target(%dma_start3A_111 : memref<512x128xf32, #tpu.memory_space<vmem_shared>>) target_semaphore(%run_scoped3A_109 : memref<!tpu.dma_semaphore, #tpu.memory_space<semaphore_mem>>)
      %dma_wait3A = arith.constant 0 : i32
      %dma_wait3A_115 = tpu.memref_slice %arg9[%select_n3A, %add3A_40, %dma_wait3A] : memref<4x3080x128xf32, #tpu.memory_space<vmem_shared>> -> memref<1x512x128xf32, #tpu.memory_space<vmem_shared>>
      %dma_wait3A_116 = tpu.memref_squeeze %dma_wait3A_115 : memref<1x512x128xf32, #tpu.memory_space<vmem_shared>> -> memref<512x128xf32, #tpu.memory_space<vmem_shared>>
      %dma_wait3A_117 = arith.constant 0 : i32
      %dma_wait3A_118 = tpu.memref_slice %arg3[%add3A_32, %mul3A_36, %dma_wait3A_117] : memref<16x2048x128xf32, #tpu.memory_space<hbm>> -> memref<1x512x128xf32, #tpu.memory_space<hbm>>
      %dma_wait3A_119 = tpu.memref_squeeze %dma_wait3A_118 : memref<1x512x128xf32, #tpu.memory_space<hbm>> -> memref<512x128xf32, #tpu.memory_space<hbm>>
      tpu.wait_dma2 semaphore(%run_scoped3A_109 : memref<!tpu.dma_semaphore, #tpu.memory_space<semaphore_mem>>) src(%dma_wait3A_119 : memref<512x128xf32, #tpu.memory_space<hbm>>) dst(%dma_wait3A_116 : memref<512x128xf32, #tpu.memory_space<vmem_shared>>)
      tpu.yield
    }) : () -> ()
    %mul3A_41 = arith.constant 4 : i32
    %mul3A_42 = arith.muli %select_n3A_28, %mul3A_41 : i32
    "tpu.region"() ({
      %run_scoped3A_109 = tpu.sem_alloc : memref<!tpu.dma_semaphore, #tpu.memory_space<semaphore_mem>>
      %dma_start3A = arith.constant 0 : i32
      %dma_start3A_110 = tpu.memref_slice %arg4[%add3A_32, %mul3A_42, %dma_start3A] : memref<16x16x128xi32, #tpu.memory_space<hbm>> -> memref<1x4x128xi32, #tpu.memory_space<hbm>>
      %dma_start3A_111 = tpu.memref_squeeze %dma_start3A_110 : memref<1x4x128xi32, #tpu.memory_space<hbm>> -> memref<4x128xi32, #tpu.memory_space<hbm>>
      %dma_start3A_112 = arith.constant 0 : i32
      %dma_start3A_113 = tpu.memref_slice %arg4[%add3A_32, %mul3A_42, %dma_start3A_112] : memref<16x16x128xi32, #tpu.memory_space<hbm>> -> memref<1x4x128xi32, #tpu.memory_space<hbm>>
      %dma_start3A_114 = tpu.memref_squeeze %dma_start3A_113 : memref<1x4x128xi32, #tpu.memory_space<hbm>> -> memref<4x128xi32, #tpu.memory_space<hbm>>
      tpu.enqueue_dma source(%dma_start3A_114 : memref<4x128xi32, #tpu.memory_space<hbm>>) target(%arg7 : memref<4x128xi32, #tpu.memory_space<vmem>>) target_semaphore(%run_scoped3A_109 : memref<!tpu.dma_semaphore, #tpu.memory_space<semaphore_mem>>)
      %dma_wait3A = arith.constant 0 : i32
      %dma_wait3A_115 = tpu.memref_slice %arg4[%add3A_32, %mul3A_42, %dma_wait3A] : memref<16x16x128xi32, #tpu.memory_space<hbm>> -> memref<1x4x128xi32, #tpu.memory_space<hbm>>
      %dma_wait3A_116 = tpu.memref_squeeze %dma_wait3A_115 : memref<1x4x128xi32, #tpu.memory_space<hbm>> -> memref<4x128xi32, #tpu.memory_space<hbm>>
      %dma_wait3A_117 = arith.constant 0 : i32
      %dma_wait3A_118 = tpu.memref_slice %arg4[%add3A_32, %mul3A_42, %dma_wait3A_117] : memref<16x16x128xi32, #tpu.memory_space<hbm>> -> memref<1x4x128xi32, #tpu.memory_space<hbm>>
      %dma_wait3A_119 = tpu.memref_squeeze %dma_wait3A_118 : memref<1x4x128xi32, #tpu.memory_space<hbm>> -> memref<4x128xi32, #tpu.memory_space<hbm>>
      tpu.wait_dma2 semaphore(%run_scoped3A_109 : memref<!tpu.dma_semaphore, #tpu.memory_space<semaphore_mem>>) src(%dma_wait3A_119 : memref<4x128xi32, #tpu.memory_space<hbm>>) dst(%arg7 : memref<4x128xi32, #tpu.memory_space<vmem>>)
      tpu.yield
    }) : () -> ()
    %barrier3A = arith.constant 0 : index
    tpu.barrier barrier_id(%barrier3A)
    %mul3A_43 = arith.constant 512 : i32
    %mul3A_44 = arith.muli %select_n3A_28, %mul3A_43 : i32
    %add3A_45 = arith.constant 0 : i32
    %add3A_46 = arith.addi %mul3A_44, %add3A_45 : i32
    "tpu.region"() ({
      %run_scoped3A_109 = tpu.sem_alloc : memref<!tpu.dma_semaphore, #tpu.memory_space<semaphore_mem>>
      %dma_start3A = arith.constant 0 : i32
      %dma_start3A_110 = tpu.memref_slice %arg2[%add3A_32, %add3A_46, %dma_start3A] : memref<16x2048x128xf32, #tpu.memory_space<hbm>> -> memref<1x128x128xf32, #tpu.memory_space<hbm>>
      %dma_start3A_111 = tpu.memref_squeeze %dma_start3A_110 : memref<1x128x128xf32, #tpu.memory_space<hbm>> -> memref<128x128xf32, #tpu.memory_space<hbm>>
      %dma_start3A_112 = arith.constant 0 : i32
      %dma_start3A_113 = tpu.memref_slice %arg2[%add3A_32, %add3A_46, %dma_start3A_112] : memref<16x2048x128xf32, #tpu.memory_space<hbm>> -> memref<1x128x128xf32, #tpu.memory_space<hbm>>
      %dma_start3A_114 = tpu.memref_squeeze %dma_start3A_113 : memref<1x128x128xf32, #tpu.memory_space<hbm>> -> memref<128x128xf32, #tpu.memory_space<hbm>>
      tpu.enqueue_dma source(%dma_start3A_114 : memref<128x128xf32, #tpu.memory_space<hbm>>) target(%arg8 : memref<128x128xf32, #tpu.memory_space<vmem>>) target_semaphore(%run_scoped3A_109 : memref<!tpu.dma_semaphore, #tpu.memory_space<semaphore_mem>>)
      %dma_wait3A = arith.constant 0 : i32
      %dma_wait3A_115 = tpu.memref_slice %arg2[%add3A_32, %add3A_46, %dma_wait3A] : memref<16x2048x128xf32, #tpu.memory_space<hbm>> -> memref<1x128x128xf32, #tpu.memory_space<hbm>>
      %dma_wait3A_116 = tpu.memref_squeeze %dma_wait3A_115 : memref<1x128x128xf32, #tpu.memory_space<hbm>> -> memref<128x128xf32, #tpu.memory_space<hbm>>
      %dma_wait3A_117 = arith.constant 0 : i32
      %dma_wait3A_118 = tpu.memref_slice %arg2[%add3A_32, %add3A_46, %dma_wait3A_117] : memref<16x2048x128xf32, #tpu.memory_space<hbm>> -> memref<1x128x128xf32, #tpu.memory_space<hbm>>
      %dma_wait3A_119 = tpu.memref_squeeze %dma_wait3A_118 : memref<1x128x128xf32, #tpu.memory_space<hbm>> -> memref<128x128xf32, #tpu.memory_space<hbm>>
      tpu.wait_dma2 semaphore(%run_scoped3A_109 : memref<!tpu.dma_semaphore, #tpu.memory_space<semaphore_mem>>) src(%dma_wait3A_119 : memref<128x128xf32, #tpu.memory_space<hbm>>) dst(%arg8 : memref<128x128xf32, #tpu.memory_space<vmem>>)
      tpu.yield
    }) : () -> ()
    %run_scoped3A = arith.constant 0 : i32
    "tpu.region"() ({
      %run_scoped3A_109 = tpu.sem_alloc : memref<!tpu.dma_semaphore, #tpu.memory_space<semaphore_mem>>
      %dma_start3A = arith.constant 0 : i32
      %dma_start3A_110 = tpu.memref_slice %arg7[%run_scoped3A, %dma_start3A] : memref<4x128xi32, #tpu.memory_space<vmem>> -> memref<1x128xi32, #tpu.memory_space<vmem>>
      %dma_start3A_111 = tpu.memref_squeeze %dma_start3A_110 : memref<1x128xi32, #tpu.memory_space<vmem>> -> memref<128xi32, #tpu.memory_space<vmem>>
      %dma_start3A_112 = arith.constant 0 : i32
      %dma_start3A_113 = arith.constant 0 : i32
      %dma_start3A_114 = tpu.memref_slice %arg9[%select_n3A, %dma_start3A_112, %dma_start3A_113] : memref<4x3080x128xf32, #tpu.memory_space<vmem_shared>> -> memref<1x3080x128xf32, #tpu.memory_space<vmem_shared>>
      %dma_start3A_115 = tpu.memref_squeeze %dma_start3A_114 : memref<1x3080x128xf32, #tpu.memory_space<vmem_shared>> -> memref<3080x128xf32, #tpu.memory_space<vmem_shared>>
      %dma_start3A_116 = arith.constant 0 : i32
      %dma_start3A_117 = arith.constant 0 : i32
      %dma_start3A_118 = tpu.memref_slice %dma_start3A_115[%dma_start3A_116, %dma_start3A_117] : memref<3080x128xf32, #tpu.memory_space<vmem_shared>> -> memref<3080x128xf32, #tpu.memory_space<vmem_shared>>
      tpu.enqueue_indirect_dma source(%arg8 : memref<128x128xf32, #tpu.memory_space<vmem>>) target(%dma_start3A_118 : memref<3080x128xf32, #tpu.memory_space<vmem_shared>>) offsets(%dma_start3A_111 : memref<128xi32, #tpu.memory_space<vmem>>) semaphore(%run_scoped3A_109 : memref<!tpu.dma_semaphore, #tpu.memory_space<semaphore_mem>>) {add = true}
      %dma_wait3A = arith.constant 0 : i32
      %dma_wait3A_119 = tpu.memref_slice %arg7[%run_scoped3A, %dma_wait3A] : memref<4x128xi32, #tpu.memory_space<vmem>> -> memref<1x128xi32, #tpu.memory_space<vmem>>
      %dma_wait3A_120 = tpu.memref_squeeze %dma_wait3A_119 : memref<1x128xi32, #tpu.memory_space<vmem>> -> memref<128xi32, #tpu.memory_space<vmem>>
      %dma_wait3A_121 = arith.constant 0 : i32
      %dma_wait3A_122 = arith.constant 0 : i32
      %dma_wait3A_123 = tpu.memref_slice %arg9[%select_n3A, %dma_wait3A_121, %dma_wait3A_122] : memref<4x3080x128xf32, #tpu.memory_space<vmem_shared>> -> memref<1x3080x128xf32, #tpu.memory_space<vmem_shared>>
      %dma_wait3A_124 = tpu.memref_squeeze %dma_wait3A_123 : memref<1x3080x128xf32, #tpu.memory_space<vmem_shared>> -> memref<3080x128xf32, #tpu.memory_space<vmem_shared>>
      %dma_wait3A_125 = arith.constant 0 : i32
      %dma_wait3A_126 = arith.constant 0 : i32
      %dma_wait3A_127 = tpu.memref_slice %dma_wait3A_124[%dma_wait3A_125, %dma_wait3A_126] : memref<3080x128xf32, #tpu.memory_space<vmem_shared>> -> memref<3080x128xf32, #tpu.memory_space<vmem_shared>>
      tpu.wait_indirect_dma semaphore(%run_scoped3A_109 : memref<!tpu.dma_semaphore, #tpu.memory_space<semaphore_mem>>) src(%arg8 : memref<128x128xf32, #tpu.memory_space<vmem>>) dst(%dma_wait3A_127 : memref<3080x128xf32, #tpu.memory_space<vmem_shared>>)
      tpu.yield
    }) : () -> ()
    %mul3A_47 = arith.constant 512 : i32
    %mul3A_48 = arith.muli %select_n3A_28, %mul3A_47 : i32
    %add3A_49 = arith.constant 128 : i32
    %add3A_50 = arith.addi %mul3A_48, %add3A_49 : i32
    "tpu.region"() ({
      %run_scoped3A_109 = tpu.sem_alloc : memref<!tpu.dma_semaphore, #tpu.memory_space<semaphore_mem>>
      %dma_start3A = arith.constant 0 : i32
      %dma_start3A_110 = tpu.memref_slice %arg2[%add3A_32, %add3A_50, %dma_start3A] : memref<16x2048x128xf32, #tpu.memory_space<hbm>> -> memref<1x128x128xf32, #tpu.memory_space<hbm>>
      %dma_start3A_111 = tpu.memref_squeeze %dma_start3A_110 : memref<1x128x128xf32, #tpu.memory_space<hbm>> -> memref<128x128xf32, #tpu.memory_space<hbm>>
      %dma_start3A_112 = arith.constant 0 : i32
      %dma_start3A_113 = tpu.memref_slice %arg2[%add3A_32, %add3A_50, %dma_start3A_112] : memref<16x2048x128xf32, #tpu.memory_space<hbm>> -> memref<1x128x128xf32, #tpu.memory_space<hbm>>
      %dma_start3A_114 = tpu.memref_squeeze %dma_start3A_113 : memref<1x128x128xf32, #tpu.memory_space<hbm>> -> memref<128x128xf32, #tpu.memory_space<hbm>>
      tpu.enqueue_dma source(%dma_start3A_114 : memref<128x128xf32, #tpu.memory_space<hbm>>) target(%arg8 : memref<128x128xf32, #tpu.memory_space<vmem>>) target_semaphore(%run_scoped3A_109 : memref<!tpu.dma_semaphore, #tpu.memory_space<semaphore_mem>>)
      %dma_wait3A = arith.constant 0 : i32
      %dma_wait3A_115 = tpu.memref_slice %arg2[%add3A_32, %add3A_50, %dma_wait3A] : memref<16x2048x128xf32, #tpu.memory_space<hbm>> -> memref<1x128x128xf32, #tpu.memory_space<hbm>>
      %dma_wait3A_116 = tpu.memref_squeeze %dma_wait3A_115 : memref<1x128x128xf32, #tpu.memory_space<hbm>> -> memref<128x128xf32, #tpu.memory_space<hbm>>
      %dma_wait3A_117 = arith.constant 0 : i32
      %dma_wait3A_118 = tpu.memref_slice %arg2[%add3A_32, %add3A_50, %dma_wait3A_117] : memref<16x2048x128xf32, #tpu.memory_space<hbm>> -> memref<1x128x128xf32, #tpu.memory_space<hbm>>
      %dma_wait3A_119 = tpu.memref_squeeze %dma_wait3A_118 : memref<1x128x128xf32, #tpu.memory_space<hbm>> -> memref<128x128xf32, #tpu.memory_space<hbm>>
      tpu.wait_dma2 semaphore(%run_scoped3A_109 : memref<!tpu.dma_semaphore, #tpu.memory_space<semaphore_mem>>) src(%dma_wait3A_119 : memref<128x128xf32, #tpu.memory_space<hbm>>) dst(%arg8 : memref<128x128xf32, #tpu.memory_space<vmem>>)
      tpu.yield
    }) : () -> ()
    %run_scoped3A_51 = arith.constant 1 : i32
    "tpu.region"() ({
      %run_scoped3A_109 = tpu.sem_alloc : memref<!tpu.dma_semaphore, #tpu.memory_space<semaphore_mem>>
      %dma_start3A = arith.constant 0 : i32
      %dma_start3A_110 = tpu.memref_slice %arg7[%run_scoped3A_51, %dma_start3A] : memref<4x128xi32, #tpu.memory_space<vmem>> -> memref<1x128xi32, #tpu.memory_space<vmem>>
      %dma_start3A_111 = tpu.memref_squeeze %dma_start3A_110 : memref<1x128xi32, #tpu.memory_space<vmem>> -> memref<128xi32, #tpu.memory_space<vmem>>
      %dma_start3A_112 = arith.constant 0 : i32
      %dma_start3A_113 = arith.constant 0 : i32
      %dma_start3A_114 = tpu.memref_slice %arg9[%select_n3A, %dma_start3A_112, %dma_start3A_113] : memref<4x3080x128xf32, #tpu.memory_space<vmem_shared>> -> memref<1x3080x128xf32, #tpu.memory_space<vmem_shared>>
      %dma_start3A_115 = tpu.memref_squeeze %dma_start3A_114 : memref<1x3080x128xf32, #tpu.memory_space<vmem_shared>> -> memref<3080x128xf32, #tpu.memory_space<vmem_shared>>
      %dma_start3A_116 = arith.constant 0 : i32
      %dma_start3A_117 = arith.constant 0 : i32
      %dma_start3A_118 = tpu.memref_slice %dma_start3A_115[%dma_start3A_116, %dma_start3A_117] : memref<3080x128xf32, #tpu.memory_space<vmem_shared>> -> memref<3080x128xf32, #tpu.memory_space<vmem_shared>>
      tpu.enqueue_indirect_dma source(%arg8 : memref<128x128xf32, #tpu.memory_space<vmem>>) target(%dma_start3A_118 : memref<3080x128xf32, #tpu.memory_space<vmem_shared>>) offsets(%dma_start3A_111 : memref<128xi32, #tpu.memory_space<vmem>>) semaphore(%run_scoped3A_109 : memref<!tpu.dma_semaphore, #tpu.memory_space<semaphore_mem>>) {add = true}
      %dma_wait3A = arith.constant 0 : i32
      %dma_wait3A_119 = tpu.memref_slice %arg7[%run_scoped3A_51, %dma_wait3A] : memref<4x128xi32, #tpu.memory_space<vmem>> -> memref<1x128xi32, #tpu.memory_space<vmem>>
      %dma_wait3A_120 = tpu.memref_squeeze %dma_wait3A_119 : memref<1x128xi32, #tpu.memory_space<vmem>> -> memref<128xi32, #tpu.memory_space<vmem>>
      %dma_wait3A_121 = arith.constant 0 : i32
      %dma_wait3A_122 = arith.constant 0 : i32
      %dma_wait3A_123 = tpu.memref_slice %arg9[%select_n3A, %dma_wait3A_121, %dma_wait3A_122] : memref<4x3080x128xf32, #tpu.memory_space<vmem_shared>> -> memref<1x3080x128xf32, #tpu.memory_space<vmem_shared>>
      %dma_wait3A_124 = tpu.memref_squeeze %dma_wait3A_123 : memref<1x3080x128xf32, #tpu.memory_space<vmem_shared>> -> memref<3080x128xf32, #tpu.memory_space<vmem_shared>>
      %dma_wait3A_125 = arith.constant 0 : i32
      %dma_wait3A_126 = arith.constant 0 : i32
      %dma_wait3A_127 = tpu.memref_slice %dma_wait3A_124[%dma_wait3A_125, %dma_wait3A_126] : memref<3080x128xf32, #tpu.memory_space<vmem_shared>> -> memref<3080x128xf32, #tpu.memory_space<vmem_shared>>
      tpu.wait_indirect_dma semaphore(%run_scoped3A_109 : memref<!tpu.dma_semaphore, #tpu.memory_space<semaphore_mem>>) src(%arg8 : memref<128x128xf32, #tpu.memory_space<vmem>>) dst(%dma_wait3A_127 : memref<3080x128xf32, #tpu.memory_space<vmem_shared>>)
      tpu.yield
    }) : () -> ()
    %mul3A_52 = arith.constant 512 : i32
    %mul3A_53 = arith.muli %select_n3A_28, %mul3A_52 : i32
    %add3A_54 = arith.constant 256 : i32
    %add3A_55 = arith.addi %mul3A_53, %add3A_54 : i32
    "tpu.region"() ({
      %run_scoped3A_109 = tpu.sem_alloc : memref<!tpu.dma_semaphore, #tpu.memory_space<semaphore_mem>>
      %dma_start3A = arith.constant 0 : i32
      %dma_start3A_110 = tpu.memref_slice %arg2[%add3A_32, %add3A_55, %dma_start3A] : memref<16x2048x128xf32, #tpu.memory_space<hbm>> -> memref<1x128x128xf32, #tpu.memory_space<hbm>>
      %dma_start3A_111 = tpu.memref_squeeze %dma_start3A_110 : memref<1x128x128xf32, #tpu.memory_space<hbm>> -> memref<128x128xf32, #tpu.memory_space<hbm>>
      %dma_start3A_112 = arith.constant 0 : i32
      %dma_start3A_113 = tpu.memref_slice %arg2[%add3A_32, %add3A_55, %dma_start3A_112] : memref<16x2048x128xf32, #tpu.memory_space<hbm>> -> memref<1x128x128xf32, #tpu.memory_space<hbm>>
      %dma_start3A_114 = tpu.memref_squeeze %dma_start3A_113 : memref<1x128x128xf32, #tpu.memory_space<hbm>> -> memref<128x128xf32, #tpu.memory_space<hbm>>
      tpu.enqueue_dma source(%dma_start3A_114 : memref<128x128xf32, #tpu.memory_space<hbm>>) target(%arg8 : memref<128x128xf32, #tpu.memory_space<vmem>>) target_semaphore(%run_scoped3A_109 : memref<!tpu.dma_semaphore, #tpu.memory_space<semaphore_mem>>)
      %dma_wait3A = arith.constant 0 : i32
      %dma_wait3A_115 = tpu.memref_slice %arg2[%add3A_32, %add3A_55, %dma_wait3A] : memref<16x2048x128xf32, #tpu.memory_space<hbm>> -> memref<1x128x128xf32, #tpu.memory_space<hbm>>
      %dma_wait3A_116 = tpu.memref_squeeze %dma_wait3A_115 : memref<1x128x128xf32, #tpu.memory_space<hbm>> -> memref<128x128xf32, #tpu.memory_space<hbm>>
      %dma_wait3A_117 = arith.constant 0 : i32
      %dma_wait3A_118 = tpu.memref_slice %arg2[%add3A_32, %add3A_55, %dma_wait3A_117] : memref<16x2048x128xf32, #tpu.memory_space<hbm>> -> memref<1x128x128xf32, #tpu.memory_space<hbm>>
      %dma_wait3A_119 = tpu.memref_squeeze %dma_wait3A_118 : memref<1x128x128xf32, #tpu.memory_space<hbm>> -> memref<128x128xf32, #tpu.memory_space<hbm>>
      tpu.wait_dma2 semaphore(%run_scoped3A_109 : memref<!tpu.dma_semaphore, #tpu.memory_space<semaphore_mem>>) src(%dma_wait3A_119 : memref<128x128xf32, #tpu.memory_space<hbm>>) dst(%arg8 : memref<128x128xf32, #tpu.memory_space<vmem>>)
      tpu.yield
    }) : () -> ()
    %run_scoped3A_56 = arith.constant 2 : i32
    "tpu.region"() ({
      %run_scoped3A_109 = tpu.sem_alloc : memref<!tpu.dma_semaphore, #tpu.memory_space<semaphore_mem>>
      %dma_start3A = arith.constant 0 : i32
      %dma_start3A_110 = tpu.memref_slice %arg7[%run_scoped3A_56, %dma_start3A] : memref<4x128xi32, #tpu.memory_space<vmem>> -> memref<1x128xi32, #tpu.memory_space<vmem>>
      %dma_start3A_111 = tpu.memref_squeeze %dma_start3A_110 : memref<1x128xi32, #tpu.memory_space<vmem>> -> memref<128xi32, #tpu.memory_space<vmem>>
      %dma_start3A_112 = arith.constant 0 : i32
      %dma_start3A_113 = arith.constant 0 : i32
      %dma_start3A_114 = tpu.memref_slice %arg9[%select_n3A, %dma_start3A_112, %dma_start3A_113] : memref<4x3080x128xf32, #tpu.memory_space<vmem_shared>> -> memref<1x3080x128xf32, #tpu.memory_space<vmem_shared>>
      %dma_start3A_115 = tpu.memref_squeeze %dma_start3A_114 : memref<1x3080x128xf32, #tpu.memory_space<vmem_shared>> -> memref<3080x128xf32, #tpu.memory_space<vmem_shared>>
      %dma_start3A_116 = arith.constant 0 : i32
      %dma_start3A_117 = arith.constant 0 : i32
      %dma_start3A_118 = tpu.memref_slice %dma_start3A_115[%dma_start3A_116, %dma_start3A_117] : memref<3080x128xf32, #tpu.memory_space<vmem_shared>> -> memref<3080x128xf32, #tpu.memory_space<vmem_shared>>
      tpu.enqueue_indirect_dma source(%arg8 : memref<128x128xf32, #tpu.memory_space<vmem>>) target(%dma_start3A_118 : memref<3080x128xf32, #tpu.memory_space<vmem_shared>>) offsets(%dma_start3A_111 : memref<128xi32, #tpu.memory_space<vmem>>) semaphore(%run_scoped3A_109 : memref<!tpu.dma_semaphore, #tpu.memory_space<semaphore_mem>>) {add = true}
      %dma_wait3A = arith.constant 0 : i32
      %dma_wait3A_119 = tpu.memref_slice %arg7[%run_scoped3A_56, %dma_wait3A] : memref<4x128xi32, #tpu.memory_space<vmem>> -> memref<1x128xi32, #tpu.memory_space<vmem>>
      %dma_wait3A_120 = tpu.memref_squeeze %dma_wait3A_119 : memref<1x128xi32, #tpu.memory_space<vmem>> -> memref<128xi32, #tpu.memory_space<vmem>>
      %dma_wait3A_121 = arith.constant 0 : i32
      %dma_wait3A_122 = arith.constant 0 : i32
      %dma_wait3A_123 = tpu.memref_slice %arg9[%select_n3A, %dma_wait3A_121, %dma_wait3A_122] : memref<4x3080x128xf32, #tpu.memory_space<vmem_shared>> -> memref<1x3080x128xf32, #tpu.memory_space<vmem_shared>>
      %dma_wait3A_124 = tpu.memref_squeeze %dma_wait3A_123 : memref<1x3080x128xf32, #tpu.memory_space<vmem_shared>> -> memref<3080x128xf32, #tpu.memory_space<vmem_shared>>
      %dma_wait3A_125 = arith.constant 0 : i32
      %dma_wait3A_126 = arith.constant 0 : i32
      %dma_wait3A_127 = tpu.memref_slice %dma_wait3A_124[%dma_wait3A_125, %dma_wait3A_126] : memref<3080x128xf32, #tpu.memory_space<vmem_shared>> -> memref<3080x128xf32, #tpu.memory_space<vmem_shared>>
      tpu.wait_indirect_dma semaphore(%run_scoped3A_109 : memref<!tpu.dma_semaphore, #tpu.memory_space<semaphore_mem>>) src(%arg8 : memref<128x128xf32, #tpu.memory_space<vmem>>) dst(%dma_wait3A_127 : memref<3080x128xf32, #tpu.memory_space<vmem_shared>>)
      tpu.yield
    }) : () -> ()
    %mul3A_57 = arith.constant 512 : i32
    %mul3A_58 = arith.muli %select_n3A_28, %mul3A_57 : i32
    %add3A_59 = arith.constant 384 : i32
    %add3A_60 = arith.addi %mul3A_58, %add3A_59 : i32
    "tpu.region"() ({
      %run_scoped3A_109 = tpu.sem_alloc : memref<!tpu.dma_semaphore, #tpu.memory_space<semaphore_mem>>
      %dma_start3A = arith.constant 0 : i32
      %dma_start3A_110 = tpu.memref_slice %arg2[%add3A_32, %add3A_60, %dma_start3A] : memref<16x2048x128xf32, #tpu.memory_space<hbm>> -> memref<1x128x128xf32, #tpu.memory_space<hbm>>
      %dma_start3A_111 = tpu.memref_squeeze %dma_start3A_110 : memref<1x128x128xf32, #tpu.memory_space<hbm>> -> memref<128x128xf32, #tpu.memory_space<hbm>>
      %dma_start3A_112 = arith.constant 0 : i32
      %dma_start3A_113 = tpu.memref_slice %arg2[%add3A_32, %add3A_60, %dma_start3A_112] : memref<16x2048x128xf32, #tpu.memory_space<hbm>> -> memref<1x128x128xf32, #tpu.memory_space<hbm>>
      %dma_start3A_114 = tpu.memref_squeeze %dma_start3A_113 : memref<1x128x128xf32, #tpu.memory_space<hbm>> -> memref<128x128xf32, #tpu.memory_space<hbm>>
      tpu.enqueue_dma source(%dma_start3A_114 : memref<128x128xf32, #tpu.memory_space<hbm>>) target(%arg8 : memref<128x128xf32, #tpu.memory_space<vmem>>) target_semaphore(%run_scoped3A_109 : memref<!tpu.dma_semaphore, #tpu.memory_space<semaphore_mem>>)
      %dma_wait3A = arith.constant 0 : i32
      %dma_wait3A_115 = tpu.memref_slice %arg2[%add3A_32, %add3A_60, %dma_wait3A] : memref<16x2048x128xf32, #tpu.memory_space<hbm>> -> memref<1x128x128xf32, #tpu.memory_space<hbm>>
      %dma_wait3A_116 = tpu.memref_squeeze %dma_wait3A_115 : memref<1x128x128xf32, #tpu.memory_space<hbm>> -> memref<128x128xf32, #tpu.memory_space<hbm>>
      %dma_wait3A_117 = arith.constant 0 : i32
      %dma_wait3A_118 = tpu.memref_slice %arg2[%add3A_32, %add3A_60, %dma_wait3A_117] : memref<16x2048x128xf32, #tpu.memory_space<hbm>> -> memref<1x128x128xf32, #tpu.memory_space<hbm>>
      %dma_wait3A_119 = tpu.memref_squeeze %dma_wait3A_118 : memref<1x128x128xf32, #tpu.memory_space<hbm>> -> memref<128x128xf32, #tpu.memory_space<hbm>>
      tpu.wait_dma2 semaphore(%run_scoped3A_109 : memref<!tpu.dma_semaphore, #tpu.memory_space<semaphore_mem>>) src(%dma_wait3A_119 : memref<128x128xf32, #tpu.memory_space<hbm>>) dst(%arg8 : memref<128x128xf32, #tpu.memory_space<vmem>>)
      tpu.yield
    }) : () -> ()
    %run_scoped3A_61 = arith.constant 3 : i32
    "tpu.region"() ({
      %run_scoped3A_109 = tpu.sem_alloc : memref<!tpu.dma_semaphore, #tpu.memory_space<semaphore_mem>>
      %dma_start3A = arith.constant 0 : i32
      %dma_start3A_110 = tpu.memref_slice %arg7[%run_scoped3A_61, %dma_start3A] : memref<4x128xi32, #tpu.memory_space<vmem>> -> memref<1x128xi32, #tpu.memory_space<vmem>>
      %dma_start3A_111 = tpu.memref_squeeze %dma_start3A_110 : memref<1x128xi32, #tpu.memory_space<vmem>> -> memref<128xi32, #tpu.memory_space<vmem>>
      %dma_start3A_112 = arith.constant 0 : i32
      %dma_start3A_113 = arith.constant 0 : i32
      %dma_start3A_114 = tpu.memref_slice %arg9[%select_n3A, %dma_start3A_112, %dma_start3A_113] : memref<4x3080x128xf32, #tpu.memory_space<vmem_shared>> -> memref<1x3080x128xf32, #tpu.memory_space<vmem_shared>>
      %dma_start3A_115 = tpu.memref_squeeze %dma_start3A_114 : memref<1x3080x128xf32, #tpu.memory_space<vmem_shared>> -> memref<3080x128xf32, #tpu.memory_space<vmem_shared>>
      %dma_start3A_116 = arith.constant 0 : i32
      %dma_start3A_117 = arith.constant 0 : i32
      %dma_start3A_118 = tpu.memref_slice %dma_start3A_115[%dma_start3A_116, %dma_start3A_117] : memref<3080x128xf32, #tpu.memory_space<vmem_shared>> -> memref<3080x128xf32, #tpu.memory_space<vmem_shared>>
      tpu.enqueue_indirect_dma source(%arg8 : memref<128x128xf32, #tpu.memory_space<vmem>>) target(%dma_start3A_118 : memref<3080x128xf32, #tpu.memory_space<vmem_shared>>) offsets(%dma_start3A_111 : memref<128xi32, #tpu.memory_space<vmem>>) semaphore(%run_scoped3A_109 : memref<!tpu.dma_semaphore, #tpu.memory_space<semaphore_mem>>) {add = true}
      %dma_wait3A = arith.constant 0 : i32
      %dma_wait3A_119 = tpu.memref_slice %arg7[%run_scoped3A_61, %dma_wait3A] : memref<4x128xi32, #tpu.memory_space<vmem>> -> memref<1x128xi32, #tpu.memory_space<vmem>>
      %dma_wait3A_120 = tpu.memref_squeeze %dma_wait3A_119 : memref<1x128xi32, #tpu.memory_space<vmem>> -> memref<128xi32, #tpu.memory_space<vmem>>
      %dma_wait3A_121 = arith.constant 0 : i32
      %dma_wait3A_122 = arith.constant 0 : i32
      %dma_wait3A_123 = tpu.memref_slice %arg9[%select_n3A, %dma_wait3A_121, %dma_wait3A_122] : memref<4x3080x128xf32, #tpu.memory_space<vmem_shared>> -> memref<1x3080x128xf32, #tpu.memory_space<vmem_shared>>
      %dma_wait3A_124 = tpu.memref_squeeze %dma_wait3A_123 : memref<1x3080x128xf32, #tpu.memory_space<vmem_shared>> -> memref<3080x128xf32, #tpu.memory_space<vmem_shared>>
      %dma_wait3A_125 = arith.constant 0 : i32
      %dma_wait3A_126 = arith.constant 0 : i32
      %dma_wait3A_127 = tpu.memref_slice %dma_wait3A_124[%dma_wait3A_125, %dma_wait3A_126] : memref<3080x128xf32, #tpu.memory_space<vmem_shared>> -> memref<3080x128xf32, #tpu.memory_space<vmem_shared>>
      tpu.wait_indirect_dma semaphore(%run_scoped3A_109 : memref<!tpu.dma_semaphore, #tpu.memory_space<semaphore_mem>>) src(%arg8 : memref<128x128xf32, #tpu.memory_space<vmem>>) dst(%dma_wait3A_127 : memref<3080x128xf32, #tpu.memory_space<vmem_shared>>)
      tpu.yield
    }) : () -> ()
    %barrier3A_62 = arith.constant 0 : index
    tpu.barrier barrier_id(%barrier3A_62)
    %mul3A_63 = arith.constant 768 : i32
    %mul3A_64 = arith.muli %select_n3A_28, %mul3A_63 : i32
    %mul3A_65 = arith.constant 768 : i32
    %mul3A_66 = arith.muli %select_n3A_28, %mul3A_65 : i32
    "tpu.region"() ({
      %run_scoped3A_109 = tpu.sem_alloc : memref<!tpu.dma_semaphore, #tpu.memory_space<semaphore_mem>>
      %dma_start3A = arith.constant 0 : i32
      %dma_start3A_110 = tpu.memref_slice %arg6[%add3A_32, %mul3A_66, %dma_start3A] : memref<16x3072x128xf32, #tpu.memory_space<hbm>> -> memref<1x768x128xf32, #tpu.memory_space<hbm>>
      %dma_start3A_111 = tpu.memref_squeeze %dma_start3A_110 : memref<1x768x128xf32, #tpu.memory_space<hbm>> -> memref<768x128xf32, #tpu.memory_space<hbm>>
      %dma_start3A_112 = arith.constant 0 : i32
      %dma_start3A_113 = tpu.memref_slice %arg9[%select_n3A, %mul3A_64, %dma_start3A_112] : memref<4x3080x128xf32, #tpu.memory_space<vmem_shared>> -> memref<1x768x128xf32, #tpu.memory_space<vmem_shared>>
      %dma_start3A_114 = tpu.memref_squeeze %dma_start3A_113 : memref<1x768x128xf32, #tpu.memory_space<vmem_shared>> -> memref<768x128xf32, #tpu.memory_space<vmem_shared>>
      tpu.enqueue_dma source(%dma_start3A_114 : memref<768x128xf32, #tpu.memory_space<vmem_shared>>) target(%dma_start3A_111 : memref<768x128xf32, #tpu.memory_space<hbm>>) target_semaphore(%run_scoped3A_109 : memref<!tpu.dma_semaphore, #tpu.memory_space<semaphore_mem>>)
      %dma_wait3A = arith.constant 0 : i32
      %dma_wait3A_115 = tpu.memref_slice %arg6[%add3A_32, %mul3A_66, %dma_wait3A] : memref<16x3072x128xf32, #tpu.memory_space<hbm>> -> memref<1x768x128xf32, #tpu.memory_space<hbm>>
      %dma_wait3A_116 = tpu.memref_squeeze %dma_wait3A_115 : memref<1x768x128xf32, #tpu.memory_space<hbm>> -> memref<768x128xf32, #tpu.memory_space<hbm>>
      %dma_wait3A_117 = arith.constant 0 : i32
      %dma_wait3A_118 = tpu.memref_slice %arg9[%select_n3A, %mul3A_64, %dma_wait3A_117] : memref<4x3080x128xf32, #tpu.memory_space<vmem_shared>> -> memref<1x768x128xf32, #tpu.memory_space<vmem_shared>>
      %dma_wait3A_119 = tpu.memref_squeeze %dma_wait3A_118 : memref<1x768x128xf32, #tpu.memory_space<vmem_shared>> -> memref<768x128xf32, #tpu.memory_space<vmem_shared>>
      tpu.wait_dma2 semaphore(%run_scoped3A_109 : memref<!tpu.dma_semaphore, #tpu.memory_space<semaphore_mem>>) src(%dma_wait3A_119 : memref<768x128xf32, #tpu.memory_space<vmem_shared>>) dst(%dma_wait3A_116 : memref<768x128xf32, #tpu.memory_space<hbm>>)
      tpu.yield
    }) : () -> ()
    %barrier3A_67 = arith.constant 0 : index
    tpu.barrier barrier_id(%barrier3A_67)
    %mul3A_68 = arith.constant 8 : i32
    %mul3A_69 = arith.muli %arg0, %mul3A_68 : i32
    %add3A_70 = arith.constant 4 : i32
    %add3A_71 = arith.addi %mul3A_69, %add3A_70 : i32
    %add3A_72 = arith.addi %add3A_71, %select_n3A : i32
    %mul3A_73 = arith.constant 256 : i32
    %mul3A_74 = arith.muli %select_n3A_28, %mul3A_73 : i32
    "tpu.region"() ({
      %run_scoped3A_109 = tpu.sem_alloc : memref<!tpu.dma_semaphore, #tpu.memory_space<semaphore_mem>>
      %dma_start3A = arith.constant 0 : i32
      %dma_start3A_110 = tpu.memref_slice %arg9[%select_n3A, %mul3A_74, %dma_start3A] : memref<4x3080x128xf32, #tpu.memory_space<vmem_shared>> -> memref<1x256x128xf32, #tpu.memory_space<vmem_shared>>
      %dma_start3A_111 = tpu.memref_squeeze %dma_start3A_110 : memref<1x256x128xf32, #tpu.memory_space<vmem_shared>> -> memref<256x128xf32, #tpu.memory_space<vmem_shared>>
      tpu.enqueue_dma source(%arg5 : memref<256x128xf32, #tpu.memory_space<hbm>>) target(%dma_start3A_111 : memref<256x128xf32, #tpu.memory_space<vmem_shared>>) target_semaphore(%run_scoped3A_109 : memref<!tpu.dma_semaphore, #tpu.memory_space<semaphore_mem>>)
      %dma_wait3A = arith.constant 0 : i32
      %dma_wait3A_112 = tpu.memref_slice %arg9[%select_n3A, %mul3A_74, %dma_wait3A] : memref<4x3080x128xf32, #tpu.memory_space<vmem_shared>> -> memref<1x256x128xf32, #tpu.memory_space<vmem_shared>>
      %dma_wait3A_113 = tpu.memref_squeeze %dma_wait3A_112 : memref<1x256x128xf32, #tpu.memory_space<vmem_shared>> -> memref<256x128xf32, #tpu.memory_space<vmem_shared>>
      tpu.wait_dma2 semaphore(%run_scoped3A_109 : memref<!tpu.dma_semaphore, #tpu.memory_space<semaphore_mem>>) src(%arg5 : memref<256x128xf32, #tpu.memory_space<hbm>>) dst(%dma_wait3A_113 : memref<256x128xf32, #tpu.memory_space<vmem_shared>>)
      tpu.yield
    }) : () -> ()
    %mul3A_75 = arith.constant 512 : i32
    %mul3A_76 = arith.muli %select_n3A_28, %mul3A_75 : i32
    %mul3A_77 = arith.constant 512 : i32
    %mul3A_78 = arith.muli %select_n3A_28, %mul3A_77 : i32
    %add3A_79 = arith.constant 1024 : i32
    %add3A_80 = arith.addi %add3A_79, %mul3A_78 : i32
    "tpu.region"() ({
      %run_scoped3A_109 = tpu.sem_alloc : memref<!tpu.dma_semaphore, #tpu.memory_space<semaphore_mem>>
      %dma_start3A = arith.constant 0 : i32
      %dma_start3A_110 = tpu.memref_slice %arg9[%select_n3A, %add3A_80, %dma_start3A] : memref<4x3080x128xf32, #tpu.memory_space<vmem_shared>> -> memref<1x512x128xf32, #tpu.memory_space<vmem_shared>>
      %dma_start3A_111 = tpu.memref_squeeze %dma_start3A_110 : memref<1x512x128xf32, #tpu.memory_space<vmem_shared>> -> memref<512x128xf32, #tpu.memory_space<vmem_shared>>
      %dma_start3A_112 = arith.constant 0 : i32
      %dma_start3A_113 = tpu.memref_slice %arg3[%add3A_72, %mul3A_76, %dma_start3A_112] : memref<16x2048x128xf32, #tpu.memory_space<hbm>> -> memref<1x512x128xf32, #tpu.memory_space<hbm>>
      %dma_start3A_114 = tpu.memref_squeeze %dma_start3A_113 : memref<1x512x128xf32, #tpu.memory_space<hbm>> -> memref<512x128xf32, #tpu.memory_space<hbm>>
      tpu.enqueue_dma source(%dma_start3A_114 : memref<512x128xf32, #tpu.memory_space<hbm>>) target(%dma_start3A_111 : memref<512x128xf32, #tpu.memory_space<vmem_shared>>) target_semaphore(%run_scoped3A_109 : memref<!tpu.dma_semaphore, #tpu.memory_space<semaphore_mem>>)
      %dma_wait3A = arith.constant 0 : i32
      %dma_wait3A_115 = tpu.memref_slice %arg9[%select_n3A, %add3A_80, %dma_wait3A] : memref<4x3080x128xf32, #tpu.memory_space<vmem_shared>> -> memref<1x512x128xf32, #tpu.memory_space<vmem_shared>>
      %dma_wait3A_116 = tpu.memref_squeeze %dma_wait3A_115 : memref<1x512x128xf32, #tpu.memory_space<vmem_shared>> -> memref<512x128xf32, #tpu.memory_space<vmem_shared>>
      %dma_wait3A_117 = arith.constant 0 : i32
      %dma_wait3A_118 = tpu.memref_slice %arg3[%add3A_72, %mul3A_76, %dma_wait3A_117] : memref<16x2048x128xf32, #tpu.memory_space<hbm>> -> memref<1x512x128xf32, #tpu.memory_space<hbm>>
      %dma_wait3A_119 = tpu.memref_squeeze %dma_wait3A_118 : memref<1x512x128xf32, #tpu.memory_space<hbm>> -> memref<512x128xf32, #tpu.memory_space<hbm>>
      tpu.wait_dma2 semaphore(%run_scoped3A_109 : memref<!tpu.dma_semaphore, #tpu.memory_space<semaphore_mem>>) src(%dma_wait3A_119 : memref<512x128xf32, #tpu.memory_space<hbm>>) dst(%dma_wait3A_116 : memref<512x128xf32, #tpu.memory_space<vmem_shared>>)
      tpu.yield
    }) : () -> ()
    %mul3A_81 = arith.constant 4 : i32
    %mul3A_82 = arith.muli %select_n3A_28, %mul3A_81 : i32
    "tpu.region"() ({
      %run_scoped3A_109 = tpu.sem_alloc : memref<!tpu.dma_semaphore, #tpu.memory_space<semaphore_mem>>
      %dma_start3A = arith.constant 0 : i32
      %dma_start3A_110 = tpu.memref_slice %arg4[%add3A_72, %mul3A_82, %dma_start3A] : memref<16x16x128xi32, #tpu.memory_space<hbm>> -> memref<1x4x128xi32, #tpu.memory_space<hbm>>
      %dma_start3A_111 = tpu.memref_squeeze %dma_start3A_110 : memref<1x4x128xi32, #tpu.memory_space<hbm>> -> memref<4x128xi32, #tpu.memory_space<hbm>>
      %dma_start3A_112 = arith.constant 0 : i32
      %dma_start3A_113 = tpu.memref_slice %arg4[%add3A_72, %mul3A_82, %dma_start3A_112] : memref<16x16x128xi32, #tpu.memory_space<hbm>> -> memref<1x4x128xi32, #tpu.memory_space<hbm>>
      %dma_start3A_114 = tpu.memref_squeeze %dma_start3A_113 : memref<1x4x128xi32, #tpu.memory_space<hbm>> -> memref<4x128xi32, #tpu.memory_space<hbm>>
      tpu.enqueue_dma source(%dma_start3A_114 : memref<4x128xi32, #tpu.memory_space<hbm>>) target(%arg7 : memref<4x128xi32, #tpu.memory_space<vmem>>) target_semaphore(%run_scoped3A_109 : memref<!tpu.dma_semaphore, #tpu.memory_space<semaphore_mem>>)
      %dma_wait3A = arith.constant 0 : i32
      %dma_wait3A_115 = tpu.memref_slice %arg4[%add3A_72, %mul3A_82, %dma_wait3A] : memref<16x16x128xi32, #tpu.memory_space<hbm>> -> memref<1x4x128xi32, #tpu.memory_space<hbm>>
      %dma_wait3A_116 = tpu.memref_squeeze %dma_wait3A_115 : memref<1x4x128xi32, #tpu.memory_space<hbm>> -> memref<4x128xi32, #tpu.memory_space<hbm>>
      %dma_wait3A_117 = arith.constant 0 : i32
      %dma_wait3A_118 = tpu.memref_slice %arg4[%add3A_72, %mul3A_82, %dma_wait3A_117] : memref<16x16x128xi32, #tpu.memory_space<hbm>> -> memref<1x4x128xi32, #tpu.memory_space<hbm>>
      %dma_wait3A_119 = tpu.memref_squeeze %dma_wait3A_118 : memref<1x4x128xi32, #tpu.memory_space<hbm>> -> memref<4x128xi32, #tpu.memory_space<hbm>>
      tpu.wait_dma2 semaphore(%run_scoped3A_109 : memref<!tpu.dma_semaphore, #tpu.memory_space<semaphore_mem>>) src(%dma_wait3A_119 : memref<4x128xi32, #tpu.memory_space<hbm>>) dst(%arg7 : memref<4x128xi32, #tpu.memory_space<vmem>>)
      tpu.yield
    }) : () -> ()
    %barrier3A_83 = arith.constant 0 : index
    tpu.barrier barrier_id(%barrier3A_83)
    %mul3A_84 = arith.constant 512 : i32
    %mul3A_85 = arith.muli %select_n3A_28, %mul3A_84 : i32
    %add3A_86 = arith.constant 0 : i32
    %add3A_87 = arith.addi %mul3A_85, %add3A_86 : i32
    "tpu.region"() ({
      %run_scoped3A_109 = tpu.sem_alloc : memref<!tpu.dma_semaphore, #tpu.memory_space<semaphore_mem>>
      %dma_start3A = arith.constant 0 : i32
      %dma_start3A_110 = tpu.memref_slice %arg2[%add3A_72, %add3A_87, %dma_start3A] : memref<16x2048x128xf32, #tpu.memory_space<hbm>> -> memref<1x128x128xf32, #tpu.memory_space<hbm>>
      %dma_start3A_111 = tpu.memref_squeeze %dma_start3A_110 : memref<1x128x128xf32, #tpu.memory_space<hbm>> -> memref<128x128xf32, #tpu.memory_space<hbm>>
      %dma_start3A_112 = arith.constant 0 : i32
      %dma_start3A_113 = tpu.memref_slice %arg2[%add3A_72, %add3A_87, %dma_start3A_112] : memref<16x2048x128xf32, #tpu.memory_space<hbm>> -> memref<1x128x128xf32, #tpu.memory_space<hbm>>
      %dma_start3A_114 = tpu.memref_squeeze %dma_start3A_113 : memref<1x128x128xf32, #tpu.memory_space<hbm>> -> memref<128x128xf32, #tpu.memory_space<hbm>>
      tpu.enqueue_dma source(%dma_start3A_114 : memref<128x128xf32, #tpu.memory_space<hbm>>) target(%arg8 : memref<128x128xf32, #tpu.memory_space<vmem>>) target_semaphore(%run_scoped3A_109 : memref<!tpu.dma_semaphore, #tpu.memory_space<semaphore_mem>>)
      %dma_wait3A = arith.constant 0 : i32
      %dma_wait3A_115 = tpu.memref_slice %arg2[%add3A_72, %add3A_87, %dma_wait3A] : memref<16x2048x128xf32, #tpu.memory_space<hbm>> -> memref<1x128x128xf32, #tpu.memory_space<hbm>>
      %dma_wait3A_116 = tpu.memref_squeeze %dma_wait3A_115 : memref<1x128x128xf32, #tpu.memory_space<hbm>> -> memref<128x128xf32, #tpu.memory_space<hbm>>
      %dma_wait3A_117 = arith.constant 0 : i32
      %dma_wait3A_118 = tpu.memref_slice %arg2[%add3A_72, %add3A_87, %dma_wait3A_117] : memref<16x2048x128xf32, #tpu.memory_space<hbm>> -> memref<1x128x128xf32, #tpu.memory_space<hbm>>
      %dma_wait3A_119 = tpu.memref_squeeze %dma_wait3A_118 : memref<1x128x128xf32, #tpu.memory_space<hbm>> -> memref<128x128xf32, #tpu.memory_space<hbm>>
      tpu.wait_dma2 semaphore(%run_scoped3A_109 : memref<!tpu.dma_semaphore, #tpu.memory_space<semaphore_mem>>) src(%dma_wait3A_119 : memref<128x128xf32, #tpu.memory_space<hbm>>) dst(%arg8 : memref<128x128xf32, #tpu.memory_space<vmem>>)
      tpu.yield
    }) : () -> ()
    %run_scoped3A_88 = arith.constant 0 : i32
    "tpu.region"() ({
      %run_scoped3A_109 = tpu.sem_alloc : memref<!tpu.dma_semaphore, #tpu.memory_space<semaphore_mem>>
      %dma_start3A = arith.constant 0 : i32
      %dma_start3A_110 = tpu.memref_slice %arg7[%run_scoped3A_88, %dma_start3A] : memref<4x128xi32, #tpu.memory_space<vmem>> -> memref<1x128xi32, #tpu.memory_space<vmem>>
      %dma_start3A_111 = tpu.memref_squeeze %dma_start3A_110 : memref<1x128xi32, #tpu.memory_space<vmem>> -> memref<128xi32, #tpu.memory_space<vmem>>
      %dma_start3A_112 = arith.constant 0 : i32
      %dma_start3A_113 = arith.constant 0 : i32
      %dma_start3A_114 = tpu.memref_slice %arg9[%select_n3A, %dma_start3A_112, %dma_start3A_113] : memref<4x3080x128xf32, #tpu.memory_space<vmem_shared>> -> memref<1x3080x128xf32, #tpu.memory_space<vmem_shared>>
      %dma_start3A_115 = tpu.memref_squeeze %dma_start3A_114 : memref<1x3080x128xf32, #tpu.memory_space<vmem_shared>> -> memref<3080x128xf32, #tpu.memory_space<vmem_shared>>
      %dma_start3A_116 = arith.constant 0 : i32
      %dma_start3A_117 = arith.constant 0 : i32
      %dma_start3A_118 = tpu.memref_slice %dma_start3A_115[%dma_start3A_116, %dma_start3A_117] : memref<3080x128xf32, #tpu.memory_space<vmem_shared>> -> memref<3080x128xf32, #tpu.memory_space<vmem_shared>>
      tpu.enqueue_indirect_dma source(%arg8 : memref<128x128xf32, #tpu.memory_space<vmem>>) target(%dma_start3A_118 : memref<3080x128xf32, #tpu.memory_space<vmem_shared>>) offsets(%dma_start3A_111 : memref<128xi32, #tpu.memory_space<vmem>>) semaphore(%run_scoped3A_109 : memref<!tpu.dma_semaphore, #tpu.memory_space<semaphore_mem>>) {add = true}
      %dma_wait3A = arith.constant 0 : i32
      %dma_wait3A_119 = tpu.memref_slice %arg7[%run_scoped3A_88, %dma_wait3A] : memref<4x128xi32, #tpu.memory_space<vmem>> -> memref<1x128xi32, #tpu.memory_space<vmem>>
      %dma_wait3A_120 = tpu.memref_squeeze %dma_wait3A_119 : memref<1x128xi32, #tpu.memory_space<vmem>> -> memref<128xi32, #tpu.memory_space<vmem>>
      %dma_wait3A_121 = arith.constant 0 : i32
      %dma_wait3A_122 = arith.constant 0 : i32
      %dma_wait3A_123 = tpu.memref_slice %arg9[%select_n3A, %dma_wait3A_121, %dma_wait3A_122] : memref<4x3080x128xf32, #tpu.memory_space<vmem_shared>> -> memref<1x3080x128xf32, #tpu.memory_space<vmem_shared>>
      %dma_wait3A_124 = tpu.memref_squeeze %dma_wait3A_123 : memref<1x3080x128xf32, #tpu.memory_space<vmem_shared>> -> memref<3080x128xf32, #tpu.memory_space<vmem_shared>>
      %dma_wait3A_125 = arith.constant 0 : i32
      %dma_wait3A_126 = arith.constant 0 : i32
      %dma_wait3A_127 = tpu.memref_slice %dma_wait3A_124[%dma_wait3A_125, %dma_wait3A_126] : memref<3080x128xf32, #tpu.memory_space<vmem_shared>> -> memref<3080x128xf32, #tpu.memory_space<vmem_shared>>
      tpu.wait_indirect_dma semaphore(%run_scoped3A_109 : memref<!tpu.dma_semaphore, #tpu.memory_space<semaphore_mem>>) src(%arg8 : memref<128x128xf32, #tpu.memory_space<vmem>>) dst(%dma_wait3A_127 : memref<3080x128xf32, #tpu.memory_space<vmem_shared>>)
      tpu.yield
    }) : () -> ()
    %mul3A_89 = arith.constant 512 : i32
    %mul3A_90 = arith.muli %select_n3A_28, %mul3A_89 : i32
    %add3A_91 = arith.constant 128 : i32
    %add3A_92 = arith.addi %mul3A_90, %add3A_91 : i32
    "tpu.region"() ({
      %run_scoped3A_109 = tpu.sem_alloc : memref<!tpu.dma_semaphore, #tpu.memory_space<semaphore_mem>>
      %dma_start3A = arith.constant 0 : i32
      %dma_start3A_110 = tpu.memref_slice %arg2[%add3A_72, %add3A_92, %dma_start3A] : memref<16x2048x128xf32, #tpu.memory_space<hbm>> -> memref<1x128x128xf32, #tpu.memory_space<hbm>>
      %dma_start3A_111 = tpu.memref_squeeze %dma_start3A_110 : memref<1x128x128xf32, #tpu.memory_space<hbm>> -> memref<128x128xf32, #tpu.memory_space<hbm>>
      %dma_start3A_112 = arith.constant 0 : i32
      %dma_start3A_113 = tpu.memref_slice %arg2[%add3A_72, %add3A_92, %dma_start3A_112] : memref<16x2048x128xf32, #tpu.memory_space<hbm>> -> memref<1x128x128xf32, #tpu.memory_space<hbm>>
      %dma_start3A_114 = tpu.memref_squeeze %dma_start3A_113 : memref<1x128x128xf32, #tpu.memory_space<hbm>> -> memref<128x128xf32, #tpu.memory_space<hbm>>
      tpu.enqueue_dma source(%dma_start3A_114 : memref<128x128xf32, #tpu.memory_space<hbm>>) target(%arg8 : memref<128x128xf32, #tpu.memory_space<vmem>>) target_semaphore(%run_scoped3A_109 : memref<!tpu.dma_semaphore, #tpu.memory_space<semaphore_mem>>)
      %dma_wait3A = arith.constant 0 : i32
      %dma_wait3A_115 = tpu.memref_slice %arg2[%add3A_72, %add3A_92, %dma_wait3A] : memref<16x2048x128xf32, #tpu.memory_space<hbm>> -> memref<1x128x128xf32, #tpu.memory_space<hbm>>
      %dma_wait3A_116 = tpu.memref_squeeze %dma_wait3A_115 : memref<1x128x128xf32, #tpu.memory_space<hbm>> -> memref<128x128xf32, #tpu.memory_space<hbm>>
      %dma_wait3A_117 = arith.constant 0 : i32
      %dma_wait3A_118 = tpu.memref_slice %arg2[%add3A_72, %add3A_92, %dma_wait3A_117] : memref<16x2048x128xf32, #tpu.memory_space<hbm>> -> memref<1x128x128xf32, #tpu.memory_space<hbm>>
      %dma_wait3A_119 = tpu.memref_squeeze %dma_wait3A_118 : memref<1x128x128xf32, #tpu.memory_space<hbm>> -> memref<128x128xf32, #tpu.memory_space<hbm>>
      tpu.wait_dma2 semaphore(%run_scoped3A_109 : memref<!tpu.dma_semaphore, #tpu.memory_space<semaphore_mem>>) src(%dma_wait3A_119 : memref<128x128xf32, #tpu.memory_space<hbm>>) dst(%arg8 : memref<128x128xf32, #tpu.memory_space<vmem>>)
      tpu.yield
    }) : () -> ()
    %run_scoped3A_93 = arith.constant 1 : i32
    "tpu.region"() ({
      %run_scoped3A_109 = tpu.sem_alloc : memref<!tpu.dma_semaphore, #tpu.memory_space<semaphore_mem>>
      %dma_start3A = arith.constant 0 : i32
      %dma_start3A_110 = tpu.memref_slice %arg7[%run_scoped3A_93, %dma_start3A] : memref<4x128xi32, #tpu.memory_space<vmem>> -> memref<1x128xi32, #tpu.memory_space<vmem>>
      %dma_start3A_111 = tpu.memref_squeeze %dma_start3A_110 : memref<1x128xi32, #tpu.memory_space<vmem>> -> memref<128xi32, #tpu.memory_space<vmem>>
      %dma_start3A_112 = arith.constant 0 : i32
      %dma_start3A_113 = arith.constant 0 : i32
      %dma_start3A_114 = tpu.memref_slice %arg9[%select_n3A, %dma_start3A_112, %dma_start3A_113] : memref<4x3080x128xf32, #tpu.memory_space<vmem_shared>> -> memref<1x3080x128xf32, #tpu.memory_space<vmem_shared>>
      %dma_start3A_115 = tpu.memref_squeeze %dma_start3A_114 : memref<1x3080x128xf32, #tpu.memory_space<vmem_shared>> -> memref<3080x128xf32, #tpu.memory_space<vmem_shared>>
      %dma_start3A_116 = arith.constant 0 : i32
      %dma_start3A_117 = arith.constant 0 : i32
      %dma_start3A_118 = tpu.memref_slice %dma_start3A_115[%dma_start3A_116, %dma_start3A_117] : memref<3080x128xf32, #tpu.memory_space<vmem_shared>> -> memref<3080x128xf32, #tpu.memory_space<vmem_shared>>
      tpu.enqueue_indirect_dma source(%arg8 : memref<128x128xf32, #tpu.memory_space<vmem>>) target(%dma_start3A_118 : memref<3080x128xf32, #tpu.memory_space<vmem_shared>>) offsets(%dma_start3A_111 : memref<128xi32, #tpu.memory_space<vmem>>) semaphore(%run_scoped3A_109 : memref<!tpu.dma_semaphore, #tpu.memory_space<semaphore_mem>>) {add = true}
      %dma_wait3A = arith.constant 0 : i32
      %dma_wait3A_119 = tpu.memref_slice %arg7[%run_scoped3A_93, %dma_wait3A] : memref<4x128xi32, #tpu.memory_space<vmem>> -> memref<1x128xi32, #tpu.memory_space<vmem>>
      %dma_wait3A_120 = tpu.memref_squeeze %dma_wait3A_119 : memref<1x128xi32, #tpu.memory_space<vmem>> -> memref<128xi32, #tpu.memory_space<vmem>>
      %dma_wait3A_121 = arith.constant 0 : i32
      %dma_wait3A_122 = arith.constant 0 : i32
      %dma_wait3A_123 = tpu.memref_slice %arg9[%select_n3A, %dma_wait3A_121, %dma_wait3A_122] : memref<4x3080x128xf32, #tpu.memory_space<vmem_shared>> -> memref<1x3080x128xf32, #tpu.memory_space<vmem_shared>>
      %dma_wait3A_124 = tpu.memref_squeeze %dma_wait3A_123 : memref<1x3080x128xf32, #tpu.memory_space<vmem_shared>> -> memref<3080x128xf32, #tpu.memory_space<vmem_shared>>
      %dma_wait3A_125 = arith.constant 0 : i32
      %dma_wait3A_126 = arith.constant 0 : i32
      %dma_wait3A_127 = tpu.memref_slice %dma_wait3A_124[%dma_wait3A_125, %dma_wait3A_126] : memref<3080x128xf32, #tpu.memory_space<vmem_shared>> -> memref<3080x128xf32, #tpu.memory_space<vmem_shared>>
      tpu.wait_indirect_dma semaphore(%run_scoped3A_109 : memref<!tpu.dma_semaphore, #tpu.memory_space<semaphore_mem>>) src(%arg8 : memref<128x128xf32, #tpu.memory_space<vmem>>) dst(%dma_wait3A_127 : memref<3080x128xf32, #tpu.memory_space<vmem_shared>>)
      tpu.yield
    }) : () -> ()
    %mul3A_94 = arith.constant 512 : i32
    %mul3A_95 = arith.muli %select_n3A_28, %mul3A_94 : i32
    %add3A_96 = arith.constant 256 : i32
    %add3A_97 = arith.addi %mul3A_95, %add3A_96 : i32
    "tpu.region"() ({
      %run_scoped3A_109 = tpu.sem_alloc : memref<!tpu.dma_semaphore, #tpu.memory_space<semaphore_mem>>
      %dma_start3A = arith.constant 0 : i32
      %dma_start3A_110 = tpu.memref_slice %arg2[%add3A_72, %add3A_97, %dma_start3A] : memref<16x2048x128xf32, #tpu.memory_space<hbm>> -> memref<1x128x128xf32, #tpu.memory_space<hbm>>
      %dma_start3A_111 = tpu.memref_squeeze %dma_start3A_110 : memref<1x128x128xf32, #tpu.memory_space<hbm>> -> memref<128x128xf32, #tpu.memory_space<hbm>>
      %dma_start3A_112 = arith.constant 0 : i32
      %dma_start3A_113 = tpu.memref_slice %arg2[%add3A_72, %add3A_97, %dma_start3A_112] : memref<16x2048x128xf32, #tpu.memory_space<hbm>> -> memref<1x128x128xf32, #tpu.memory_space<hbm>>
      %dma_start3A_114 = tpu.memref_squeeze %dma_start3A_113 : memref<1x128x128xf32, #tpu.memory_space<hbm>> -> memref<128x128xf32, #tpu.memory_space<hbm>>
      tpu.enqueue_dma source(%dma_start3A_114 : memref<128x128xf32, #tpu.memory_space<hbm>>) target(%arg8 : memref<128x128xf32, #tpu.memory_space<vmem>>) target_semaphore(%run_scoped3A_109 : memref<!tpu.dma_semaphore, #tpu.memory_space<semaphore_mem>>)
      %dma_wait3A = arith.constant 0 : i32
      %dma_wait3A_115 = tpu.memref_slice %arg2[%add3A_72, %add3A_97, %dma_wait3A] : memref<16x2048x128xf32, #tpu.memory_space<hbm>> -> memref<1x128x128xf32, #tpu.memory_space<hbm>>
      %dma_wait3A_116 = tpu.memref_squeeze %dma_wait3A_115 : memref<1x128x128xf32, #tpu.memory_space<hbm>> -> memref<128x128xf32, #tpu.memory_space<hbm>>
      %dma_wait3A_117 = arith.constant 0 : i32
      %dma_wait3A_118 = tpu.memref_slice %arg2[%add3A_72, %add3A_97, %dma_wait3A_117] : memref<16x2048x128xf32, #tpu.memory_space<hbm>> -> memref<1x128x128xf32, #tpu.memory_space<hbm>>
      %dma_wait3A_119 = tpu.memref_squeeze %dma_wait3A_118 : memref<1x128x128xf32, #tpu.memory_space<hbm>> -> memref<128x128xf32, #tpu.memory_space<hbm>>
      tpu.wait_dma2 semaphore(%run_scoped3A_109 : memref<!tpu.dma_semaphore, #tpu.memory_space<semaphore_mem>>) src(%dma_wait3A_119 : memref<128x128xf32, #tpu.memory_space<hbm>>) dst(%arg8 : memref<128x128xf32, #tpu.memory_space<vmem>>)
      tpu.yield
    }) : () -> ()
    %run_scoped3A_98 = arith.constant 2 : i32
    "tpu.region"() ({
      %run_scoped3A_109 = tpu.sem_alloc : memref<!tpu.dma_semaphore, #tpu.memory_space<semaphore_mem>>
      %dma_start3A = arith.constant 0 : i32
      %dma_start3A_110 = tpu.memref_slice %arg7[%run_scoped3A_98, %dma_start3A] : memref<4x128xi32, #tpu.memory_space<vmem>> -> memref<1x128xi32, #tpu.memory_space<vmem>>
      %dma_start3A_111 = tpu.memref_squeeze %dma_start3A_110 : memref<1x128xi32, #tpu.memory_space<vmem>> -> memref<128xi32, #tpu.memory_space<vmem>>
      %dma_start3A_112 = arith.constant 0 : i32
      %dma_start3A_113 = arith.constant 0 : i32
      %dma_start3A_114 = tpu.memref_slice %arg9[%select_n3A, %dma_start3A_112, %dma_start3A_113] : memref<4x3080x128xf32, #tpu.memory_space<vmem_shared>> -> memref<1x3080x128xf32, #tpu.memory_space<vmem_shared>>
      %dma_start3A_115 = tpu.memref_squeeze %dma_start3A_114 : memref<1x3080x128xf32, #tpu.memory_space<vmem_shared>> -> memref<3080x128xf32, #tpu.memory_space<vmem_shared>>
      %dma_start3A_116 = arith.constant 0 : i32
      %dma_start3A_117 = arith.constant 0 : i32
      %dma_start3A_118 = tpu.memref_slice %dma_start3A_115[%dma_start3A_116, %dma_start3A_117] : memref<3080x128xf32, #tpu.memory_space<vmem_shared>> -> memref<3080x128xf32, #tpu.memory_space<vmem_shared>>
      tpu.enqueue_indirect_dma source(%arg8 : memref<128x128xf32, #tpu.memory_space<vmem>>) target(%dma_start3A_118 : memref<3080x128xf32, #tpu.memory_space<vmem_shared>>) offsets(%dma_start3A_111 : memref<128xi32, #tpu.memory_space<vmem>>) semaphore(%run_scoped3A_109 : memref<!tpu.dma_semaphore, #tpu.memory_space<semaphore_mem>>) {add = true}
      %dma_wait3A = arith.constant 0 : i32
      %dma_wait3A_119 = tpu.memref_slice %arg7[%run_scoped3A_98, %dma_wait3A] : memref<4x128xi32, #tpu.memory_space<vmem>> -> memref<1x128xi32, #tpu.memory_space<vmem>>
      %dma_wait3A_120 = tpu.memref_squeeze %dma_wait3A_119 : memref<1x128xi32, #tpu.memory_space<vmem>> -> memref<128xi32, #tpu.memory_space<vmem>>
      %dma_wait3A_121 = arith.constant 0 : i32
      %dma_wait3A_122 = arith.constant 0 : i32
      %dma_wait3A_123 = tpu.memref_slice %arg9[%select_n3A, %dma_wait3A_121, %dma_wait3A_122] : memref<4x3080x128xf32, #tpu.memory_space<vmem_shared>> -> memref<1x3080x128xf32, #tpu.memory_space<vmem_shared>>
      %dma_wait3A_124 = tpu.memref_squeeze %dma_wait3A_123 : memref<1x3080x128xf32, #tpu.memory_space<vmem_shared>> -> memref<3080x128xf32, #tpu.memory_space<vmem_shared>>
      %dma_wait3A_125 = arith.constant 0 : i32
      %dma_wait3A_126 = arith.constant 0 : i32
      %dma_wait3A_127 = tpu.memref_slice %dma_wait3A_124[%dma_wait3A_125, %dma_wait3A_126] : memref<3080x128xf32, #tpu.memory_space<vmem_shared>> -> memref<3080x128xf32, #tpu.memory_space<vmem_shared>>
      tpu.wait_indirect_dma semaphore(%run_scoped3A_109 : memref<!tpu.dma_semaphore, #tpu.memory_space<semaphore_mem>>) src(%arg8 : memref<128x128xf32, #tpu.memory_space<vmem>>) dst(%dma_wait3A_127 : memref<3080x128xf32, #tpu.memory_space<vmem_shared>>)
      tpu.yield
    }) : () -> ()
    %mul3A_99 = arith.constant 512 : i32
    %mul3A_100 = arith.muli %select_n3A_28, %mul3A_99 : i32
    %add3A_101 = arith.constant 384 : i32
    %add3A_102 = arith.addi %mul3A_100, %add3A_101 : i32
    "tpu.region"() ({
      %run_scoped3A_109 = tpu.sem_alloc : memref<!tpu.dma_semaphore, #tpu.memory_space<semaphore_mem>>
      %dma_start3A = arith.constant 0 : i32
      %dma_start3A_110 = tpu.memref_slice %arg2[%add3A_72, %add3A_102, %dma_start3A] : memref<16x2048x128xf32, #tpu.memory_space<hbm>> -> memref<1x128x128xf32, #tpu.memory_space<hbm>>
      %dma_start3A_111 = tpu.memref_squeeze %dma_start3A_110 : memref<1x128x128xf32, #tpu.memory_space<hbm>> -> memref<128x128xf32, #tpu.memory_space<hbm>>
      %dma_start3A_112 = arith.constant 0 : i32
      %dma_start3A_113 = tpu.memref_slice %arg2[%add3A_72, %add3A_102, %dma_start3A_112] : memref<16x2048x128xf32, #tpu.memory_space<hbm>> -> memref<1x128x128xf32, #tpu.memory_space<hbm>>
      %dma_start3A_114 = tpu.memref_squeeze %dma_start3A_113 : memref<1x128x128xf32, #tpu.memory_space<hbm>> -> memref<128x128xf32, #tpu.memory_space<hbm>>
      tpu.enqueue_dma source(%dma_start3A_114 : memref<128x128xf32, #tpu.memory_space<hbm>>) target(%arg8 : memref<128x128xf32, #tpu.memory_space<vmem>>) target_semaphore(%run_scoped3A_109 : memref<!tpu.dma_semaphore, #tpu.memory_space<semaphore_mem>>)
      %dma_wait3A = arith.constant 0 : i32
      %dma_wait3A_115 = tpu.memref_slice %arg2[%add3A_72, %add3A_102, %dma_wait3A] : memref<16x2048x128xf32, #tpu.memory_space<hbm>> -> memref<1x128x128xf32, #tpu.memory_space<hbm>>
      %dma_wait3A_116 = tpu.memref_squeeze %dma_wait3A_115 : memref<1x128x128xf32, #tpu.memory_space<hbm>> -> memref<128x128xf32, #tpu.memory_space<hbm>>
      %dma_wait3A_117 = arith.constant 0 : i32
      %dma_wait3A_118 = tpu.memref_slice %arg2[%add3A_72, %add3A_102, %dma_wait3A_117] : memref<16x2048x128xf32, #tpu.memory_space<hbm>> -> memref<1x128x128xf32, #tpu.memory_space<hbm>>
      %dma_wait3A_119 = tpu.memref_squeeze %dma_wait3A_118 : memref<1x128x128xf32, #tpu.memory_space<hbm>> -> memref<128x128xf32, #tpu.memory_space<hbm>>
      tpu.wait_dma2 semaphore(%run_scoped3A_109 : memref<!tpu.dma_semaphore, #tpu.memory_space<semaphore_mem>>) src(%dma_wait3A_119 : memref<128x128xf32, #tpu.memory_space<hbm>>) dst(%arg8 : memref<128x128xf32, #tpu.memory_space<vmem>>)
      tpu.yield
    }) : () -> ()
    %run_scoped3A_103 = arith.constant 3 : i32
    "tpu.region"() ({
      %run_scoped3A_109 = tpu.sem_alloc : memref<!tpu.dma_semaphore, #tpu.memory_space<semaphore_mem>>
      %dma_start3A = arith.constant 0 : i32
      %dma_start3A_110 = tpu.memref_slice %arg7[%run_scoped3A_103, %dma_start3A] : memref<4x128xi32, #tpu.memory_space<vmem>> -> memref<1x128xi32, #tpu.memory_space<vmem>>
      %dma_start3A_111 = tpu.memref_squeeze %dma_start3A_110 : memref<1x128xi32, #tpu.memory_space<vmem>> -> memref<128xi32, #tpu.memory_space<vmem>>
      %dma_start3A_112 = arith.constant 0 : i32
      %dma_start3A_113 = arith.constant 0 : i32
      %dma_start3A_114 = tpu.memref_slice %arg9[%select_n3A, %dma_start3A_112, %dma_start3A_113] : memref<4x3080x128xf32, #tpu.memory_space<vmem_shared>> -> memref<1x3080x128xf32, #tpu.memory_space<vmem_shared>>
      %dma_start3A_115 = tpu.memref_squeeze %dma_start3A_114 : memref<1x3080x128xf32, #tpu.memory_space<vmem_shared>> -> memref<3080x128xf32, #tpu.memory_space<vmem_shared>>
      %dma_start3A_116 = arith.constant 0 : i32
      %dma_start3A_117 = arith.constant 0 : i32
      %dma_start3A_118 = tpu.memref_slice %dma_start3A_115[%dma_start3A_116, %dma_start3A_117] : memref<3080x128xf32, #tpu.memory_space<vmem_shared>> -> memref<3080x128xf32, #tpu.memory_space<vmem_shared>>
      tpu.enqueue_indirect_dma source(%arg8 : memref<128x128xf32, #tpu.memory_space<vmem>>) target(%dma_start3A_118 : memref<3080x128xf32, #tpu.memory_space<vmem_shared>>) offsets(%dma_start3A_111 : memref<128xi32, #tpu.memory_space<vmem>>) semaphore(%run_scoped3A_109 : memref<!tpu.dma_semaphore, #tpu.memory_space<semaphore_mem>>) {add = true}
      %dma_wait3A = arith.constant 0 : i32
      %dma_wait3A_119 = tpu.memref_slice %arg7[%run_scoped3A_103, %dma_wait3A] : memref<4x128xi32, #tpu.memory_space<vmem>> -> memref<1x128xi32, #tpu.memory_space<vmem>>
      %dma_wait3A_120 = tpu.memref_squeeze %dma_wait3A_119 : memref<1x128xi32, #tpu.memory_space<vmem>> -> memref<128xi32, #tpu.memory_space<vmem>>
      %dma_wait3A_121 = arith.constant 0 : i32
      %dma_wait3A_122 = arith.constant 0 : i32
      %dma_wait3A_123 = tpu.memref_slice %arg9[%select_n3A, %dma_wait3A_121, %dma_wait3A_122] : memref<4x3080x128xf32, #tpu.memory_space<vmem_shared>> -> memref<1x3080x128xf32, #tpu.memory_space<vmem_shared>>
      %dma_wait3A_124 = tpu.memref_squeeze %dma_wait3A_123 : memref<1x3080x128xf32, #tpu.memory_space<vmem_shared>> -> memref<3080x128xf32, #tpu.memory_space<vmem_shared>>
      %dma_wait3A_125 = arith.constant 0 : i32
      %dma_wait3A_126 = arith.constant 0 : i32
      %dma_wait3A_127 = tpu.memref_slice %dma_wait3A_124[%dma_wait3A_125, %dma_wait3A_126] : memref<3080x128xf32, #tpu.memory_space<vmem_shared>> -> memref<3080x128xf32, #tpu.memory_space<vmem_shared>>
      tpu.wait_indirect_dma semaphore(%run_scoped3A_109 : memref<!tpu.dma_semaphore, #tpu.memory_space<semaphore_mem>>) src(%arg8 : memref<128x128xf32, #tpu.memory_space<vmem>>) dst(%dma_wait3A_127 : memref<3080x128xf32, #tpu.memory_space<vmem_shared>>)
      tpu.yield
    }) : () -> ()
    %barrier3A_104 = arith.constant 0 : index
    tpu.barrier barrier_id(%barrier3A_104)
    %mul3A_105 = arith.constant 768 : i32
    %mul3A_106 = arith.muli %select_n3A_28, %mul3A_105 : i32
    %mul3A_107 = arith.constant 768 : i32
    %mul3A_108 = arith.muli %select_n3A_28, %mul3A_107 : i32
    "tpu.region"() ({
      %run_scoped3A_109 = tpu.sem_alloc : memref<!tpu.dma_semaphore, #tpu.memory_space<semaphore_mem>>
      %dma_start3A = arith.constant 0 : i32
      %dma_start3A_110 = tpu.memref_slice %arg6[%add3A_72, %mul3A_108, %dma_start3A] : memref<16x3072x128xf32, #tpu.memory_space<hbm>> -> memref<1x768x128xf32, #tpu.memory_space<hbm>>
      %dma_start3A_111 = tpu.memref_squeeze %dma_start3A_110 : memref<1x768x128xf32, #tpu.memory_space<hbm>> -> memref<768x128xf32, #tpu.memory_space<hbm>>
      %dma_start3A_112 = arith.constant 0 : i32
      %dma_start3A_113 = tpu.memref_slice %arg9[%select_n3A, %mul3A_106, %dma_start3A_112] : memref<4x3080x128xf32, #tpu.memory_space<vmem_shared>> -> memref<1x768x128xf32, #tpu.memory_space<vmem_shared>>
      %dma_start3A_114 = tpu.memref_squeeze %dma_start3A_113 : memref<1x768x128xf32, #tpu.memory_space<vmem_shared>> -> memref<768x128xf32, #tpu.memory_space<vmem_shared>>
      tpu.enqueue_dma source(%dma_start3A_114 : memref<768x128xf32, #tpu.memory_space<vmem_shared>>) target(%dma_start3A_111 : memref<768x128xf32, #tpu.memory_space<hbm>>) target_semaphore(%run_scoped3A_109 : memref<!tpu.dma_semaphore, #tpu.memory_space<semaphore_mem>>)
      %dma_wait3A = arith.constant 0 : i32
      %dma_wait3A_115 = tpu.memref_slice %arg6[%add3A_72, %mul3A_108, %dma_wait3A] : memref<16x3072x128xf32, #tpu.memory_space<hbm>> -> memref<1x768x128xf32, #tpu.memory_space<hbm>>
      %dma_wait3A_116 = tpu.memref_squeeze %dma_wait3A_115 : memref<1x768x128xf32, #tpu.memory_space<hbm>> -> memref<768x128xf32, #tpu.memory_space<hbm>>
      %dma_wait3A_117 = arith.constant 0 : i32
      %dma_wait3A_118 = tpu.memref_slice %arg9[%select_n3A, %mul3A_106, %dma_wait3A_117] : memref<4x3080x128xf32, #tpu.memory_space<vmem_shared>> -> memref<1x768x128xf32, #tpu.memory_space<vmem_shared>>
      %dma_wait3A_119 = tpu.memref_squeeze %dma_wait3A_118 : memref<1x768x128xf32, #tpu.memory_space<vmem_shared>> -> memref<768x128xf32, #tpu.memory_space<vmem_shared>>
      tpu.wait_dma2 semaphore(%run_scoped3A_109 : memref<!tpu.dma_semaphore, #tpu.memory_space<semaphore_mem>>) src(%dma_wait3A_119 : memref<768x128xf32, #tpu.memory_space<vmem_shared>>) dst(%dma_wait3A_116 : memref<768x128xf32, #tpu.memory_space<hbm>>)
      tpu.yield
    }) : () -> ()
    return
  }
}

module attributes {stable_mosaic.version = 14 : i64} {
  func.func @_tc_body(%arg0: i32, %arg1: memref<1x2048x128xf32, #tpu.memory_space<vmem>>, %arg2: memref<1x2048x128xf32, #tpu.memory_space<vmem>>, %arg3: memref<1x2048x128xf32, #tpu.memory_space<vmem>>, %arg4: memref<1x2048x128xf32, #tpu.memory_space<vmem>>, %arg5: memref<1x16x128xi32, #tpu.memory_space<vmem>>) attributes {dimension_semantics = [#tpu.dimension_semantics<arbitrary>], iteration_bounds = array<i64: 16>, scalar_prefetch = 0 : i64, scratch_operands = 0 : i64, tpu.core_type = #tpu.core_type<tc>, window_params = [{transform_indices = @transform_0, window_bounds = array<i64: 1, 2048, 128>}, {transform_indices = @transform_1, window_bounds = array<i64: 1, 2048, 128>}, {transform_indices = @transform_2, window_bounds = array<i64: 1, 2048, 128>}, {transform_indices = @transform_3, window_bounds = array<i64: 1, 2048, 128>}, {transform_indices = @transform_4, window_bounds = array<i64: 1, 16, 128>}]} {
    %get3A = arith.constant 0 : index
    %get3A_0 = arith.constant 0 : index
    %get3A_1 = arith.constant 0 : index
    %get3A_2 = vector.load %arg1[%get3A, %get3A_0, %get3A_1] : memref<1x2048x128xf32, #tpu.memory_space<vmem>>, vector<1x2048x64xf32>
    %get3A_3 = vector.shape_cast %get3A_2 : vector<1x2048x64xf32> to vector<2048x64xf32>
    %get3A_4 = arith.constant 0 : index
    %get3A_5 = arith.constant 0 : index
    %get3A_6 = arith.constant 64 : index
    %get3A_7 = vector.load %arg1[%get3A_4, %get3A_5, %get3A_6] : memref<1x2048x128xf32, #tpu.memory_space<vmem>>, vector<1x2048x64xf32>
    %get3A_8 = vector.shape_cast %get3A_7 : vector<1x2048x64xf32> to vector<2048x64xf32>
    %get3A_9 = arith.constant 0 : index
    %get3A_10 = arith.constant 0 : index
    %get3A_11 = arith.constant 64 : index
    %get3A_12 = vector.load %arg2[%get3A_9, %get3A_10, %get3A_11] : memref<1x2048x128xf32, #tpu.memory_space<vmem>>, vector<1x2048x64xf32>
    %get3A_13 = vector.shape_cast %get3A_12 : vector<1x2048x64xf32> to vector<2048x64xf32>
    %broadcast_in_dim3A = arith.constant 1.000000e+00 : f32
    %broadcast_in_dim3A_14 = vector.broadcast %broadcast_in_dim3A : f32 to vector<2048x1xf32>
    %get3A_15 = arith.constant 0 : index
    %get3A_16 = arith.constant 0 : index
    %get3A_17 = arith.constant 0 : index
    %get3A_18 = vector.load %arg2[%get3A_15, %get3A_16, %get3A_17] : memref<1x2048x128xf32, #tpu.memory_space<vmem>>, vector<1x256x64xf32>
    %get3A_19 = vector.shape_cast %get3A_18 : vector<1x256x64xf32> to vector<256x64xf32>
    %dot_general3A = arith.constant dense<0.000000e+00> : vector<256x2048xf32>
    %dot_general3A_20 = tpu.matmul %get3A_19, %get3A_13, %dot_general3A {dimension_numbers = #tpu.dot_dimension_numbers<[1], [1], [0], [0], [0, 0, 1, 0], [], []>, transpose_lhs_hint = false} : vector<256x64xf32>, vector<2048x64xf32>, vector<256x2048xf32> -> vector<256x2048xf32>
    %reduce_max3A = arith.constant dense<0xFF800000> : vector<256xf32>
    %reduce_max3A_21 = vector.multi_reduction <maximumf>, %dot_general3A_20, %reduce_max3A [1] : vector<256x2048xf32> to vector<256xf32>
    %argmax3A = tpu.reduce_index %dot_general3A_20 {axis = 1 : i32, kind = #tpu.reduction_kind<arg_max>} : vector<256x2048xf32> -> vector<256xi32>
    %get3A_22 = arith.constant 0 : index
    %get3A_23 = arith.constant 256 : index
    %get3A_24 = arith.constant 0 : index
    %get3A_25 = vector.load %arg2[%get3A_22, %get3A_23, %get3A_24] : memref<1x2048x128xf32, #tpu.memory_space<vmem>>, vector<1x256x64xf32>
    %get3A_26 = vector.shape_cast %get3A_25 : vector<1x256x64xf32> to vector<256x64xf32>
    %dot_general3A_27 = arith.constant dense<0.000000e+00> : vector<256x2048xf32>
    %dot_general3A_28 = tpu.matmul %get3A_26, %get3A_13, %dot_general3A_27 {dimension_numbers = #tpu.dot_dimension_numbers<[1], [1], [0], [0], [0, 0, 1, 0], [], []>, transpose_lhs_hint = false} : vector<256x64xf32>, vector<2048x64xf32>, vector<256x2048xf32> -> vector<256x2048xf32>
    %reduce_max3A_29 = arith.constant dense<0xFF800000> : vector<256xf32>
    %reduce_max3A_30 = vector.multi_reduction <maximumf>, %dot_general3A_28, %reduce_max3A_29 [1] : vector<256x2048xf32> to vector<256xf32>
    %argmax3A_31 = tpu.reduce_index %dot_general3A_28 {axis = 1 : i32, kind = #tpu.reduction_kind<arg_max>} : vector<256x2048xf32> -> vector<256xi32>
    %get3A_32 = arith.constant 0 : index
    %get3A_33 = arith.constant 512 : index
    %get3A_34 = arith.constant 0 : index
    %get3A_35 = vector.load %arg2[%get3A_32, %get3A_33, %get3A_34] : memref<1x2048x128xf32, #tpu.memory_space<vmem>>, vector<1x256x64xf32>
    %get3A_36 = vector.shape_cast %get3A_35 : vector<1x256x64xf32> to vector<256x64xf32>
    %dot_general3A_37 = arith.constant dense<0.000000e+00> : vector<256x2048xf32>
    %dot_general3A_38 = tpu.matmul %get3A_36, %get3A_13, %dot_general3A_37 {dimension_numbers = #tpu.dot_dimension_numbers<[1], [1], [0], [0], [0, 0, 1, 0], [], []>, transpose_lhs_hint = false} : vector<256x64xf32>, vector<2048x64xf32>, vector<256x2048xf32> -> vector<256x2048xf32>
    %reduce_max3A_39 = arith.constant dense<0xFF800000> : vector<256xf32>
    %reduce_max3A_40 = vector.multi_reduction <maximumf>, %dot_general3A_38, %reduce_max3A_39 [1] : vector<256x2048xf32> to vector<256xf32>
    %argmax3A_41 = tpu.reduce_index %dot_general3A_38 {axis = 1 : i32, kind = #tpu.reduction_kind<arg_max>} : vector<256x2048xf32> -> vector<256xi32>
    %get3A_42 = arith.constant 0 : index
    %get3A_43 = arith.constant 768 : index
    %get3A_44 = arith.constant 0 : index
    %get3A_45 = vector.load %arg2[%get3A_42, %get3A_43, %get3A_44] : memref<1x2048x128xf32, #tpu.memory_space<vmem>>, vector<1x256x64xf32>
    %get3A_46 = vector.shape_cast %get3A_45 : vector<1x256x64xf32> to vector<256x64xf32>
    %dot_general3A_47 = arith.constant dense<0.000000e+00> : vector<256x2048xf32>
    %dot_general3A_48 = tpu.matmul %get3A_46, %get3A_13, %dot_general3A_47 {dimension_numbers = #tpu.dot_dimension_numbers<[1], [1], [0], [0], [0, 0, 1, 0], [], []>, transpose_lhs_hint = false} : vector<256x64xf32>, vector<2048x64xf32>, vector<256x2048xf32> -> vector<256x2048xf32>
    %reduce_max3A_49 = arith.constant dense<0xFF800000> : vector<256xf32>
    %reduce_max3A_50 = vector.multi_reduction <maximumf>, %dot_general3A_48, %reduce_max3A_49 [1] : vector<256x2048xf32> to vector<256xf32>
    %argmax3A_51 = tpu.reduce_index %dot_general3A_48 {axis = 1 : i32, kind = #tpu.reduction_kind<arg_max>} : vector<256x2048xf32> -> vector<256xi32>
    %get3A_52 = arith.constant 0 : index
    %get3A_53 = arith.constant 1024 : index
    %get3A_54 = arith.constant 0 : index
    %get3A_55 = vector.load %arg2[%get3A_52, %get3A_53, %get3A_54] : memref<1x2048x128xf32, #tpu.memory_space<vmem>>, vector<1x256x64xf32>
    %get3A_56 = vector.shape_cast %get3A_55 : vector<1x256x64xf32> to vector<256x64xf32>
    %dot_general3A_57 = arith.constant dense<0.000000e+00> : vector<256x2048xf32>
    %dot_general3A_58 = tpu.matmul %get3A_56, %get3A_13, %dot_general3A_57 {dimension_numbers = #tpu.dot_dimension_numbers<[1], [1], [0], [0], [0, 0, 1, 0], [], []>, transpose_lhs_hint = false} : vector<256x64xf32>, vector<2048x64xf32>, vector<256x2048xf32> -> vector<256x2048xf32>
    %reduce_max3A_59 = arith.constant dense<0xFF800000> : vector<256xf32>
    %reduce_max3A_60 = vector.multi_reduction <maximumf>, %dot_general3A_58, %reduce_max3A_59 [1] : vector<256x2048xf32> to vector<256xf32>
    %argmax3A_61 = tpu.reduce_index %dot_general3A_58 {axis = 1 : i32, kind = #tpu.reduction_kind<arg_max>} : vector<256x2048xf32> -> vector<256xi32>
    %get3A_62 = arith.constant 0 : index
    %get3A_63 = arith.constant 1280 : index
    %get3A_64 = arith.constant 0 : index
    %get3A_65 = vector.load %arg2[%get3A_62, %get3A_63, %get3A_64] : memref<1x2048x128xf32, #tpu.memory_space<vmem>>, vector<1x256x64xf32>
    %get3A_66 = vector.shape_cast %get3A_65 : vector<1x256x64xf32> to vector<256x64xf32>
    %dot_general3A_67 = arith.constant dense<0.000000e+00> : vector<256x2048xf32>
    %dot_general3A_68 = tpu.matmul %get3A_66, %get3A_13, %dot_general3A_67 {dimension_numbers = #tpu.dot_dimension_numbers<[1], [1], [0], [0], [0, 0, 1, 0], [], []>, transpose_lhs_hint = false} : vector<256x64xf32>, vector<2048x64xf32>, vector<256x2048xf32> -> vector<256x2048xf32>
    %reduce_max3A_69 = arith.constant dense<0xFF800000> : vector<256xf32>
    %reduce_max3A_70 = vector.multi_reduction <maximumf>, %dot_general3A_68, %reduce_max3A_69 [1] : vector<256x2048xf32> to vector<256xf32>
    %argmax3A_71 = tpu.reduce_index %dot_general3A_68 {axis = 1 : i32, kind = #tpu.reduction_kind<arg_max>} : vector<256x2048xf32> -> vector<256xi32>
    %get3A_72 = arith.constant 0 : index
    %get3A_73 = arith.constant 1536 : index
    %get3A_74 = arith.constant 0 : index
    %get3A_75 = vector.load %arg2[%get3A_72, %get3A_73, %get3A_74] : memref<1x2048x128xf32, #tpu.memory_space<vmem>>, vector<1x256x64xf32>
    %get3A_76 = vector.shape_cast %get3A_75 : vector<1x256x64xf32> to vector<256x64xf32>
    %dot_general3A_77 = arith.constant dense<0.000000e+00> : vector<256x2048xf32>
    %dot_general3A_78 = tpu.matmul %get3A_76, %get3A_13, %dot_general3A_77 {dimension_numbers = #tpu.dot_dimension_numbers<[1], [1], [0], [0], [0, 0, 1, 0], [], []>, transpose_lhs_hint = false} : vector<256x64xf32>, vector<2048x64xf32>, vector<256x2048xf32> -> vector<256x2048xf32>
    %reduce_max3A_79 = arith.constant dense<0xFF800000> : vector<256xf32>
    %reduce_max3A_80 = vector.multi_reduction <maximumf>, %dot_general3A_78, %reduce_max3A_79 [1] : vector<256x2048xf32> to vector<256xf32>
    %argmax3A_81 = tpu.reduce_index %dot_general3A_78 {axis = 1 : i32, kind = #tpu.reduction_kind<arg_max>} : vector<256x2048xf32> -> vector<256xi32>
    %get3A_82 = arith.constant 0 : index
    %get3A_83 = arith.constant 1792 : index
    %get3A_84 = arith.constant 0 : index
    %get3A_85 = vector.load %arg2[%get3A_82, %get3A_83, %get3A_84] : memref<1x2048x128xf32, #tpu.memory_space<vmem>>, vector<1x256x64xf32>
    %get3A_86 = vector.shape_cast %get3A_85 : vector<1x256x64xf32> to vector<256x64xf32>
    %dot_general3A_87 = arith.constant dense<0.000000e+00> : vector<256x2048xf32>
    %dot_general3A_88 = tpu.matmul %get3A_86, %get3A_13, %dot_general3A_87 {dimension_numbers = #tpu.dot_dimension_numbers<[1], [1], [0], [0], [0, 0, 1, 0], [], []>, transpose_lhs_hint = false} : vector<256x64xf32>, vector<2048x64xf32>, vector<256x2048xf32> -> vector<256x2048xf32>
    %reduce_max3A_89 = arith.constant dense<0xFF800000> : vector<256xf32>
    %reduce_max3A_90 = vector.multi_reduction <maximumf>, %dot_general3A_88, %reduce_max3A_89 [1] : vector<256x2048xf32> to vector<256xf32>
    %argmax3A_91 = tpu.reduce_index %dot_general3A_88 {axis = 1 : i32, kind = #tpu.reduction_kind<arg_max>} : vector<256x2048xf32> -> vector<256xi32>
    %broadcast_in_dim3A_92 = vector.shape_cast %reduce_max3A_21 : vector<256xf32> to vector<1x256xf32>
    %broadcast_in_dim3A_93 = vector.shape_cast %reduce_max3A_30 : vector<256xf32> to vector<1x256xf32>
    %broadcast_in_dim3A_94 = vector.shape_cast %reduce_max3A_40 : vector<256xf32> to vector<1x256xf32>
    %broadcast_in_dim3A_95 = vector.shape_cast %reduce_max3A_50 : vector<256xf32> to vector<1x256xf32>
    %broadcast_in_dim3A_96 = vector.shape_cast %reduce_max3A_60 : vector<256xf32> to vector<1x256xf32>
    %broadcast_in_dim3A_97 = vector.shape_cast %reduce_max3A_70 : vector<256xf32> to vector<1x256xf32>
    %broadcast_in_dim3A_98 = vector.shape_cast %reduce_max3A_80 : vector<256xf32> to vector<1x256xf32>
    %broadcast_in_dim3A_99 = vector.shape_cast %reduce_max3A_90 : vector<256xf32> to vector<1x256xf32>
    %concatenate3A = tpu.concatenate %broadcast_in_dim3A_92, %broadcast_in_dim3A_93, %broadcast_in_dim3A_94, %broadcast_in_dim3A_95, %broadcast_in_dim3A_96, %broadcast_in_dim3A_97, %broadcast_in_dim3A_98, %broadcast_in_dim3A_99 in 1 : vector<1x256xf32>, vector<1x256xf32>, vector<1x256xf32>, vector<1x256xf32>, vector<1x256xf32>, vector<1x256xf32>, vector<1x256xf32>, vector<1x256xf32> -> vector<1x2048xf32>
    %iota3A = tpu.iota {dimensions = array<i32: 1>} : vector<1x2048xi32>
    %broadcast_in_dim3A_100 = vector.shape_cast %reduce_max3A_21 : vector<256xf32> to vector<256x1xf32>
    %iota3A_101 = tpu.iota {dimensions = array<i32: 0>} : vector<256x1xi32>
    %add3A = arith.constant 0 : i32
    %add3A_102 = vector.broadcast %add3A : i32 to vector<256x1xi32>
    %add3A_103 = arith.addi %iota3A_101, %add3A_102 : vector<256x1xi32>
    %gt3A = vector.broadcast %concatenate3A : vector<1x2048xf32> to vector<256x2048xf32>
    %gt3A_104 = vector.broadcast %broadcast_in_dim3A_100 : vector<256x1xf32> to vector<256x2048xf32>
    %gt3A_105 = arith.cmpf ogt, %gt3A, %gt3A_104 : vector<256x2048xf32>
    %eq3A = vector.broadcast %concatenate3A : vector<1x2048xf32> to vector<256x2048xf32>
    %eq3A_106 = vector.broadcast %broadcast_in_dim3A_100 : vector<256x1xf32> to vector<256x2048xf32>
    %eq3A_107 = arith.cmpf oeq, %eq3A, %eq3A_106 : vector<256x2048xf32>
    %lt3A = vector.broadcast %iota3A : vector<1x2048xi32> to vector<256x2048xi32>
    %lt3A_108 = vector.broadcast %add3A_103 : vector<256x1xi32> to vector<256x2048xi32>
    %lt3A_109 = arith.cmpi slt, %lt3A, %lt3A_108 : vector<256x2048xi32>
    %and3A = arith.andi %eq3A_107, %lt3A_109 : vector<256x2048xi1>
    %or3A = arith.ori %gt3A_105, %and3A : vector<256x2048xi1>
    %convert_element_type3A = arith.extui %or3A : vector<256x2048xi1> to vector<256x2048xi32>
    %convert_element_type3A_110 = arith.sitofp %convert_element_type3A : vector<256x2048xi32> to vector<256x2048xf32>
    %dot_general3A_111 = arith.constant dense<0.000000e+00> : vector<256x1xf32>
    %dot_general3A_112 = tpu.matmul %convert_element_type3A_110, %broadcast_in_dim3A_14, %dot_general3A_111 {dimension_numbers = #tpu.dot_dimension_numbers<[1], [0], [0], [1], [0, 0, 1, 1], [], []>, transpose_lhs_hint = false} : vector<256x2048xf32>, vector<2048x1xf32>, vector<256x1xf32> -> vector<256x1xf32>
    %squeeze3A = vector.shape_cast %dot_general3A_112 : vector<256x1xf32> to vector<256xf32>
    %convert_element_type3A_113 = arith.fptosi %squeeze3A : vector<256xf32> to vector<256xi32>
    %broadcast_in_dim3A_114 = vector.shape_cast %reduce_max3A_30 : vector<256xf32> to vector<256x1xf32>
    %iota3A_115 = tpu.iota {dimensions = array<i32: 0>} : vector<256x1xi32>
    %add3A_116 = arith.constant 256 : i32
    %add3A_117 = vector.broadcast %add3A_116 : i32 to vector<256x1xi32>
    %add3A_118 = arith.addi %iota3A_115, %add3A_117 : vector<256x1xi32>
    %gt3A_119 = vector.broadcast %concatenate3A : vector<1x2048xf32> to vector<256x2048xf32>
    %gt3A_120 = vector.broadcast %broadcast_in_dim3A_114 : vector<256x1xf32> to vector<256x2048xf32>
    %gt3A_121 = arith.cmpf ogt, %gt3A_119, %gt3A_120 : vector<256x2048xf32>
    %eq3A_122 = vector.broadcast %concatenate3A : vector<1x2048xf32> to vector<256x2048xf32>
    %eq3A_123 = vector.broadcast %broadcast_in_dim3A_114 : vector<256x1xf32> to vector<256x2048xf32>
    %eq3A_124 = arith.cmpf oeq, %eq3A_122, %eq3A_123 : vector<256x2048xf32>
    %lt3A_125 = vector.broadcast %iota3A : vector<1x2048xi32> to vector<256x2048xi32>
    %lt3A_126 = vector.broadcast %add3A_118 : vector<256x1xi32> to vector<256x2048xi32>
    %lt3A_127 = arith.cmpi slt, %lt3A_125, %lt3A_126 : vector<256x2048xi32>
    %and3A_128 = arith.andi %eq3A_124, %lt3A_127 : vector<256x2048xi1>
    %or3A_129 = arith.ori %gt3A_121, %and3A_128 : vector<256x2048xi1>
    %convert_element_type3A_130 = arith.extui %or3A_129 : vector<256x2048xi1> to vector<256x2048xi32>
    %convert_element_type3A_131 = arith.sitofp %convert_element_type3A_130 : vector<256x2048xi32> to vector<256x2048xf32>
    %dot_general3A_132 = arith.constant dense<0.000000e+00> : vector<256x1xf32>
    %dot_general3A_133 = tpu.matmul %convert_element_type3A_131, %broadcast_in_dim3A_14, %dot_general3A_132 {dimension_numbers = #tpu.dot_dimension_numbers<[1], [0], [0], [1], [0, 0, 1, 1], [], []>, transpose_lhs_hint = false} : vector<256x2048xf32>, vector<2048x1xf32>, vector<256x1xf32> -> vector<256x1xf32>
    %squeeze3A_134 = vector.shape_cast %dot_general3A_133 : vector<256x1xf32> to vector<256xf32>
    %convert_element_type3A_135 = arith.fptosi %squeeze3A_134 : vector<256xf32> to vector<256xi32>
    %broadcast_in_dim3A_136 = vector.shape_cast %reduce_max3A_40 : vector<256xf32> to vector<256x1xf32>
    %iota3A_137 = tpu.iota {dimensions = array<i32: 0>} : vector<256x1xi32>
    %add3A_138 = arith.constant 512 : i32
    %add3A_139 = vector.broadcast %add3A_138 : i32 to vector<256x1xi32>
    %add3A_140 = arith.addi %iota3A_137, %add3A_139 : vector<256x1xi32>
    %gt3A_141 = vector.broadcast %concatenate3A : vector<1x2048xf32> to vector<256x2048xf32>
    %gt3A_142 = vector.broadcast %broadcast_in_dim3A_136 : vector<256x1xf32> to vector<256x2048xf32>
    %gt3A_143 = arith.cmpf ogt, %gt3A_141, %gt3A_142 : vector<256x2048xf32>
    %eq3A_144 = vector.broadcast %concatenate3A : vector<1x2048xf32> to vector<256x2048xf32>
    %eq3A_145 = vector.broadcast %broadcast_in_dim3A_136 : vector<256x1xf32> to vector<256x2048xf32>
    %eq3A_146 = arith.cmpf oeq, %eq3A_144, %eq3A_145 : vector<256x2048xf32>
    %lt3A_147 = vector.broadcast %iota3A : vector<1x2048xi32> to vector<256x2048xi32>
    %lt3A_148 = vector.broadcast %add3A_140 : vector<256x1xi32> to vector<256x2048xi32>
    %lt3A_149 = arith.cmpi slt, %lt3A_147, %lt3A_148 : vector<256x2048xi32>
    %and3A_150 = arith.andi %eq3A_146, %lt3A_149 : vector<256x2048xi1>
    %or3A_151 = arith.ori %gt3A_143, %and3A_150 : vector<256x2048xi1>
    %convert_element_type3A_152 = arith.extui %or3A_151 : vector<256x2048xi1> to vector<256x2048xi32>
    %convert_element_type3A_153 = arith.sitofp %convert_element_type3A_152 : vector<256x2048xi32> to vector<256x2048xf32>
    %dot_general3A_154 = arith.constant dense<0.000000e+00> : vector<256x1xf32>
    %dot_general3A_155 = tpu.matmul %convert_element_type3A_153, %broadcast_in_dim3A_14, %dot_general3A_154 {dimension_numbers = #tpu.dot_dimension_numbers<[1], [0], [0], [1], [0, 0, 1, 1], [], []>, transpose_lhs_hint = false} : vector<256x2048xf32>, vector<2048x1xf32>, vector<256x1xf32> -> vector<256x1xf32>
    %squeeze3A_156 = vector.shape_cast %dot_general3A_155 : vector<256x1xf32> to vector<256xf32>
    %convert_element_type3A_157 = arith.fptosi %squeeze3A_156 : vector<256xf32> to vector<256xi32>
    %broadcast_in_dim3A_158 = vector.shape_cast %reduce_max3A_50 : vector<256xf32> to vector<256x1xf32>
    %iota3A_159 = tpu.iota {dimensions = array<i32: 0>} : vector<256x1xi32>
    %add3A_160 = arith.constant 768 : i32
    %add3A_161 = vector.broadcast %add3A_160 : i32 to vector<256x1xi32>
    %add3A_162 = arith.addi %iota3A_159, %add3A_161 : vector<256x1xi32>
    %gt3A_163 = vector.broadcast %concatenate3A : vector<1x2048xf32> to vector<256x2048xf32>
    %gt3A_164 = vector.broadcast %broadcast_in_dim3A_158 : vector<256x1xf32> to vector<256x2048xf32>
    %gt3A_165 = arith.cmpf ogt, %gt3A_163, %gt3A_164 : vector<256x2048xf32>
    %eq3A_166 = vector.broadcast %concatenate3A : vector<1x2048xf32> to vector<256x2048xf32>
    %eq3A_167 = vector.broadcast %broadcast_in_dim3A_158 : vector<256x1xf32> to vector<256x2048xf32>
    %eq3A_168 = arith.cmpf oeq, %eq3A_166, %eq3A_167 : vector<256x2048xf32>
    %lt3A_169 = vector.broadcast %iota3A : vector<1x2048xi32> to vector<256x2048xi32>
    %lt3A_170 = vector.broadcast %add3A_162 : vector<256x1xi32> to vector<256x2048xi32>
    %lt3A_171 = arith.cmpi slt, %lt3A_169, %lt3A_170 : vector<256x2048xi32>
    %and3A_172 = arith.andi %eq3A_168, %lt3A_171 : vector<256x2048xi1>
    %or3A_173 = arith.ori %gt3A_165, %and3A_172 : vector<256x2048xi1>
    %convert_element_type3A_174 = arith.extui %or3A_173 : vector<256x2048xi1> to vector<256x2048xi32>
    %convert_element_type3A_175 = arith.sitofp %convert_element_type3A_174 : vector<256x2048xi32> to vector<256x2048xf32>
    %dot_general3A_176 = arith.constant dense<0.000000e+00> : vector<256x1xf32>
    %dot_general3A_177 = tpu.matmul %convert_element_type3A_175, %broadcast_in_dim3A_14, %dot_general3A_176 {dimension_numbers = #tpu.dot_dimension_numbers<[1], [0], [0], [1], [0, 0, 1, 1], [], []>, transpose_lhs_hint = false} : vector<256x2048xf32>, vector<2048x1xf32>, vector<256x1xf32> -> vector<256x1xf32>
    %squeeze3A_178 = vector.shape_cast %dot_general3A_177 : vector<256x1xf32> to vector<256xf32>
    %convert_element_type3A_179 = arith.fptosi %squeeze3A_178 : vector<256xf32> to vector<256xi32>
    %broadcast_in_dim3A_180 = vector.shape_cast %reduce_max3A_60 : vector<256xf32> to vector<256x1xf32>
    %iota3A_181 = tpu.iota {dimensions = array<i32: 0>} : vector<256x1xi32>
    %add3A_182 = arith.constant 1024 : i32
    %add3A_183 = vector.broadcast %add3A_182 : i32 to vector<256x1xi32>
    %add3A_184 = arith.addi %iota3A_181, %add3A_183 : vector<256x1xi32>
    %gt3A_185 = vector.broadcast %concatenate3A : vector<1x2048xf32> to vector<256x2048xf32>
    %gt3A_186 = vector.broadcast %broadcast_in_dim3A_180 : vector<256x1xf32> to vector<256x2048xf32>
    %gt3A_187 = arith.cmpf ogt, %gt3A_185, %gt3A_186 : vector<256x2048xf32>
    %eq3A_188 = vector.broadcast %concatenate3A : vector<1x2048xf32> to vector<256x2048xf32>
    %eq3A_189 = vector.broadcast %broadcast_in_dim3A_180 : vector<256x1xf32> to vector<256x2048xf32>
    %eq3A_190 = arith.cmpf oeq, %eq3A_188, %eq3A_189 : vector<256x2048xf32>
    %lt3A_191 = vector.broadcast %iota3A : vector<1x2048xi32> to vector<256x2048xi32>
    %lt3A_192 = vector.broadcast %add3A_184 : vector<256x1xi32> to vector<256x2048xi32>
    %lt3A_193 = arith.cmpi slt, %lt3A_191, %lt3A_192 : vector<256x2048xi32>
    %and3A_194 = arith.andi %eq3A_190, %lt3A_193 : vector<256x2048xi1>
    %or3A_195 = arith.ori %gt3A_187, %and3A_194 : vector<256x2048xi1>
    %convert_element_type3A_196 = arith.extui %or3A_195 : vector<256x2048xi1> to vector<256x2048xi32>
    %convert_element_type3A_197 = arith.sitofp %convert_element_type3A_196 : vector<256x2048xi32> to vector<256x2048xf32>
    %dot_general3A_198 = arith.constant dense<0.000000e+00> : vector<256x1xf32>
    %dot_general3A_199 = tpu.matmul %convert_element_type3A_197, %broadcast_in_dim3A_14, %dot_general3A_198 {dimension_numbers = #tpu.dot_dimension_numbers<[1], [0], [0], [1], [0, 0, 1, 1], [], []>, transpose_lhs_hint = false} : vector<256x2048xf32>, vector<2048x1xf32>, vector<256x1xf32> -> vector<256x1xf32>
    %squeeze3A_200 = vector.shape_cast %dot_general3A_199 : vector<256x1xf32> to vector<256xf32>
    %convert_element_type3A_201 = arith.fptosi %squeeze3A_200 : vector<256xf32> to vector<256xi32>
    %broadcast_in_dim3A_202 = vector.shape_cast %reduce_max3A_70 : vector<256xf32> to vector<256x1xf32>
    %iota3A_203 = tpu.iota {dimensions = array<i32: 0>} : vector<256x1xi32>
    %add3A_204 = arith.constant 1280 : i32
    %add3A_205 = vector.broadcast %add3A_204 : i32 to vector<256x1xi32>
    %add3A_206 = arith.addi %iota3A_203, %add3A_205 : vector<256x1xi32>
    %gt3A_207 = vector.broadcast %concatenate3A : vector<1x2048xf32> to vector<256x2048xf32>
    %gt3A_208 = vector.broadcast %broadcast_in_dim3A_202 : vector<256x1xf32> to vector<256x2048xf32>
    %gt3A_209 = arith.cmpf ogt, %gt3A_207, %gt3A_208 : vector<256x2048xf32>
    %eq3A_210 = vector.broadcast %concatenate3A : vector<1x2048xf32> to vector<256x2048xf32>
    %eq3A_211 = vector.broadcast %broadcast_in_dim3A_202 : vector<256x1xf32> to vector<256x2048xf32>
    %eq3A_212 = arith.cmpf oeq, %eq3A_210, %eq3A_211 : vector<256x2048xf32>
    %lt3A_213 = vector.broadcast %iota3A : vector<1x2048xi32> to vector<256x2048xi32>
    %lt3A_214 = vector.broadcast %add3A_206 : vector<256x1xi32> to vector<256x2048xi32>
    %lt3A_215 = arith.cmpi slt, %lt3A_213, %lt3A_214 : vector<256x2048xi32>
    %and3A_216 = arith.andi %eq3A_212, %lt3A_215 : vector<256x2048xi1>
    %or3A_217 = arith.ori %gt3A_209, %and3A_216 : vector<256x2048xi1>
    %convert_element_type3A_218 = arith.extui %or3A_217 : vector<256x2048xi1> to vector<256x2048xi32>
    %convert_element_type3A_219 = arith.sitofp %convert_element_type3A_218 : vector<256x2048xi32> to vector<256x2048xf32>
    %dot_general3A_220 = arith.constant dense<0.000000e+00> : vector<256x1xf32>
    %dot_general3A_221 = tpu.matmul %convert_element_type3A_219, %broadcast_in_dim3A_14, %dot_general3A_220 {dimension_numbers = #tpu.dot_dimension_numbers<[1], [0], [0], [1], [0, 0, 1, 1], [], []>, transpose_lhs_hint = false} : vector<256x2048xf32>, vector<2048x1xf32>, vector<256x1xf32> -> vector<256x1xf32>
    %squeeze3A_222 = vector.shape_cast %dot_general3A_221 : vector<256x1xf32> to vector<256xf32>
    %convert_element_type3A_223 = arith.fptosi %squeeze3A_222 : vector<256xf32> to vector<256xi32>
    %broadcast_in_dim3A_224 = vector.shape_cast %reduce_max3A_80 : vector<256xf32> to vector<256x1xf32>
    %iota3A_225 = tpu.iota {dimensions = array<i32: 0>} : vector<256x1xi32>
    %add3A_226 = arith.constant 1536 : i32
    %add3A_227 = vector.broadcast %add3A_226 : i32 to vector<256x1xi32>
    %add3A_228 = arith.addi %iota3A_225, %add3A_227 : vector<256x1xi32>
    %gt3A_229 = vector.broadcast %concatenate3A : vector<1x2048xf32> to vector<256x2048xf32>
    %gt3A_230 = vector.broadcast %broadcast_in_dim3A_224 : vector<256x1xf32> to vector<256x2048xf32>
    %gt3A_231 = arith.cmpf ogt, %gt3A_229, %gt3A_230 : vector<256x2048xf32>
    %eq3A_232 = vector.broadcast %concatenate3A : vector<1x2048xf32> to vector<256x2048xf32>
    %eq3A_233 = vector.broadcast %broadcast_in_dim3A_224 : vector<256x1xf32> to vector<256x2048xf32>
    %eq3A_234 = arith.cmpf oeq, %eq3A_232, %eq3A_233 : vector<256x2048xf32>
    %lt3A_235 = vector.broadcast %iota3A : vector<1x2048xi32> to vector<256x2048xi32>
    %lt3A_236 = vector.broadcast %add3A_228 : vector<256x1xi32> to vector<256x2048xi32>
    %lt3A_237 = arith.cmpi slt, %lt3A_235, %lt3A_236 : vector<256x2048xi32>
    %and3A_238 = arith.andi %eq3A_234, %lt3A_237 : vector<256x2048xi1>
    %or3A_239 = arith.ori %gt3A_231, %and3A_238 : vector<256x2048xi1>
    %convert_element_type3A_240 = arith.extui %or3A_239 : vector<256x2048xi1> to vector<256x2048xi32>
    %convert_element_type3A_241 = arith.sitofp %convert_element_type3A_240 : vector<256x2048xi32> to vector<256x2048xf32>
    %dot_general3A_242 = arith.constant dense<0.000000e+00> : vector<256x1xf32>
    %dot_general3A_243 = tpu.matmul %convert_element_type3A_241, %broadcast_in_dim3A_14, %dot_general3A_242 {dimension_numbers = #tpu.dot_dimension_numbers<[1], [0], [0], [1], [0, 0, 1, 1], [], []>, transpose_lhs_hint = false} : vector<256x2048xf32>, vector<2048x1xf32>, vector<256x1xf32> -> vector<256x1xf32>
    %squeeze3A_244 = vector.shape_cast %dot_general3A_243 : vector<256x1xf32> to vector<256xf32>
    %convert_element_type3A_245 = arith.fptosi %squeeze3A_244 : vector<256xf32> to vector<256xi32>
    %broadcast_in_dim3A_246 = vector.shape_cast %reduce_max3A_90 : vector<256xf32> to vector<256x1xf32>
    %iota3A_247 = tpu.iota {dimensions = array<i32: 0>} : vector<256x1xi32>
    %add3A_248 = arith.constant 1792 : i32
    %add3A_249 = vector.broadcast %add3A_248 : i32 to vector<256x1xi32>
    %add3A_250 = arith.addi %iota3A_247, %add3A_249 : vector<256x1xi32>
    %gt3A_251 = vector.broadcast %concatenate3A : vector<1x2048xf32> to vector<256x2048xf32>
    %gt3A_252 = vector.broadcast %broadcast_in_dim3A_246 : vector<256x1xf32> to vector<256x2048xf32>
    %gt3A_253 = arith.cmpf ogt, %gt3A_251, %gt3A_252 : vector<256x2048xf32>
    %eq3A_254 = vector.broadcast %concatenate3A : vector<1x2048xf32> to vector<256x2048xf32>
    %eq3A_255 = vector.broadcast %broadcast_in_dim3A_246 : vector<256x1xf32> to vector<256x2048xf32>
    %eq3A_256 = arith.cmpf oeq, %eq3A_254, %eq3A_255 : vector<256x2048xf32>
    %lt3A_257 = vector.broadcast %iota3A : vector<1x2048xi32> to vector<256x2048xi32>
    %lt3A_258 = vector.broadcast %add3A_250 : vector<256x1xi32> to vector<256x2048xi32>
    %lt3A_259 = arith.cmpi slt, %lt3A_257, %lt3A_258 : vector<256x2048xi32>
    %and3A_260 = arith.andi %eq3A_256, %lt3A_259 : vector<256x2048xi1>
    %or3A_261 = arith.ori %gt3A_253, %and3A_260 : vector<256x2048xi1>
    %convert_element_type3A_262 = arith.extui %or3A_261 : vector<256x2048xi1> to vector<256x2048xi32>
    %convert_element_type3A_263 = arith.sitofp %convert_element_type3A_262 : vector<256x2048xi32> to vector<256x2048xf32>
    %dot_general3A_264 = arith.constant dense<0.000000e+00> : vector<256x1xf32>
    %dot_general3A_265 = tpu.matmul %convert_element_type3A_263, %broadcast_in_dim3A_14, %dot_general3A_264 {dimension_numbers = #tpu.dot_dimension_numbers<[1], [0], [0], [1], [0, 0, 1, 1], [], []>, transpose_lhs_hint = false} : vector<256x2048xf32>, vector<2048x1xf32>, vector<256x1xf32> -> vector<256x1xf32>
    %squeeze3A_266 = vector.shape_cast %dot_general3A_265 : vector<256x1xf32> to vector<256xf32>
    %convert_element_type3A_267 = arith.fptosi %squeeze3A_266 : vector<256xf32> to vector<256xi32>
    %lt3A_268 = arith.constant 1024 : i32
    %lt3A_269 = vector.broadcast %lt3A_268 : i32 to vector<256xi32>
    %lt3A_270 = arith.cmpi slt, %convert_element_type3A_113, %lt3A_269 : vector<256xi32>
    %add3A_271 = arith.constant 1024 : i32
    %add3A_272 = vector.broadcast %add3A_271 : i32 to vector<256xi32>
    %add3A_273 = arith.addi %add3A_272, %argmax3A : vector<256xi32>
    %sub3A = arith.constant 1024 : i32
    %sub3A_274 = vector.broadcast %sub3A : i32 to vector<256xi32>
    %sub3A_275 = arith.subi %convert_element_type3A_113, %sub3A_274 : vector<256xi32>
    %select_n3A = arith.select %lt3A_270, %add3A_273, %sub3A_275 : vector<256xi1>, vector<256xi32>
    %lt3A_276 = arith.constant 1024 : i32
    %lt3A_277 = vector.broadcast %lt3A_276 : i32 to vector<256xi32>
    %lt3A_278 = arith.cmpi slt, %convert_element_type3A_135, %lt3A_277 : vector<256xi32>
    %add3A_279 = arith.constant 1024 : i32
    %add3A_280 = vector.broadcast %add3A_279 : i32 to vector<256xi32>
    %add3A_281 = arith.addi %add3A_280, %argmax3A_31 : vector<256xi32>
    %sub3A_282 = arith.constant 1024 : i32
    %sub3A_283 = vector.broadcast %sub3A_282 : i32 to vector<256xi32>
    %sub3A_284 = arith.subi %convert_element_type3A_135, %sub3A_283 : vector<256xi32>
    %select_n3A_285 = arith.select %lt3A_278, %add3A_281, %sub3A_284 : vector<256xi1>, vector<256xi32>
    %lt3A_286 = arith.constant 1024 : i32
    %lt3A_287 = vector.broadcast %lt3A_286 : i32 to vector<256xi32>
    %lt3A_288 = arith.cmpi slt, %convert_element_type3A_157, %lt3A_287 : vector<256xi32>
    %add3A_289 = arith.constant 1024 : i32
    %add3A_290 = vector.broadcast %add3A_289 : i32 to vector<256xi32>
    %add3A_291 = arith.addi %add3A_290, %argmax3A_41 : vector<256xi32>
    %sub3A_292 = arith.constant 1024 : i32
    %sub3A_293 = vector.broadcast %sub3A_292 : i32 to vector<256xi32>
    %sub3A_294 = arith.subi %convert_element_type3A_157, %sub3A_293 : vector<256xi32>
    %select_n3A_295 = arith.select %lt3A_288, %add3A_291, %sub3A_294 : vector<256xi1>, vector<256xi32>
    %lt3A_296 = arith.constant 1024 : i32
    %lt3A_297 = vector.broadcast %lt3A_296 : i32 to vector<256xi32>
    %lt3A_298 = arith.cmpi slt, %convert_element_type3A_179, %lt3A_297 : vector<256xi32>
    %add3A_299 = arith.constant 1024 : i32
    %add3A_300 = vector.broadcast %add3A_299 : i32 to vector<256xi32>
    %add3A_301 = arith.addi %add3A_300, %argmax3A_51 : vector<256xi32>
    %sub3A_302 = arith.constant 1024 : i32
    %sub3A_303 = vector.broadcast %sub3A_302 : i32 to vector<256xi32>
    %sub3A_304 = arith.subi %convert_element_type3A_179, %sub3A_303 : vector<256xi32>
    %select_n3A_305 = arith.select %lt3A_298, %add3A_301, %sub3A_304 : vector<256xi1>, vector<256xi32>
    %lt3A_306 = arith.constant 1024 : i32
    %lt3A_307 = vector.broadcast %lt3A_306 : i32 to vector<256xi32>
    %lt3A_308 = arith.cmpi slt, %convert_element_type3A_201, %lt3A_307 : vector<256xi32>
    %add3A_309 = arith.constant 1024 : i32
    %add3A_310 = vector.broadcast %add3A_309 : i32 to vector<256xi32>
    %add3A_311 = arith.addi %add3A_310, %argmax3A_61 : vector<256xi32>
    %sub3A_312 = arith.constant 1024 : i32
    %sub3A_313 = vector.broadcast %sub3A_312 : i32 to vector<256xi32>
    %sub3A_314 = arith.subi %convert_element_type3A_201, %sub3A_313 : vector<256xi32>
    %select_n3A_315 = arith.select %lt3A_308, %add3A_311, %sub3A_314 : vector<256xi1>, vector<256xi32>
    %lt3A_316 = arith.constant 1024 : i32
    %lt3A_317 = vector.broadcast %lt3A_316 : i32 to vector<256xi32>
    %lt3A_318 = arith.cmpi slt, %convert_element_type3A_223, %lt3A_317 : vector<256xi32>
    %add3A_319 = arith.constant 1024 : i32
    %add3A_320 = vector.broadcast %add3A_319 : i32 to vector<256xi32>
    %add3A_321 = arith.addi %add3A_320, %argmax3A_71 : vector<256xi32>
    %sub3A_322 = arith.constant 1024 : i32
    %sub3A_323 = vector.broadcast %sub3A_322 : i32 to vector<256xi32>
    %sub3A_324 = arith.subi %convert_element_type3A_223, %sub3A_323 : vector<256xi32>
    %select_n3A_325 = arith.select %lt3A_318, %add3A_321, %sub3A_324 : vector<256xi1>, vector<256xi32>
    %lt3A_326 = arith.constant 1024 : i32
    %lt3A_327 = vector.broadcast %lt3A_326 : i32 to vector<256xi32>
    %lt3A_328 = arith.cmpi slt, %convert_element_type3A_245, %lt3A_327 : vector<256xi32>
    %add3A_329 = arith.constant 1024 : i32
    %add3A_330 = vector.broadcast %add3A_329 : i32 to vector<256xi32>
    %add3A_331 = arith.addi %add3A_330, %argmax3A_81 : vector<256xi32>
    %sub3A_332 = arith.constant 1024 : i32
    %sub3A_333 = vector.broadcast %sub3A_332 : i32 to vector<256xi32>
    %sub3A_334 = arith.subi %convert_element_type3A_245, %sub3A_333 : vector<256xi32>
    %select_n3A_335 = arith.select %lt3A_328, %add3A_331, %sub3A_334 : vector<256xi1>, vector<256xi32>
    %lt3A_336 = arith.constant 1024 : i32
    %lt3A_337 = vector.broadcast %lt3A_336 : i32 to vector<256xi32>
    %lt3A_338 = arith.cmpi slt, %convert_element_type3A_267, %lt3A_337 : vector<256xi32>
    %add3A_339 = arith.constant 1024 : i32
    %add3A_340 = vector.broadcast %add3A_339 : i32 to vector<256xi32>
    %add3A_341 = arith.addi %add3A_340, %argmax3A_91 : vector<256xi32>
    %sub3A_342 = arith.constant 1024 : i32
    %sub3A_343 = vector.broadcast %sub3A_342 : i32 to vector<256xi32>
    %sub3A_344 = arith.subi %convert_element_type3A_267, %sub3A_343 : vector<256xi32>
    %select_n3A_345 = arith.select %lt3A_338, %add3A_341, %sub3A_344 : vector<256xi1>, vector<256xi32>
    %broadcast_in_dim3A_346 = vector.shape_cast %select_n3A : vector<256xi32> to vector<1x256xi32>
    %broadcast_in_dim3A_347 = vector.shape_cast %select_n3A_285 : vector<256xi32> to vector<1x256xi32>
    %broadcast_in_dim3A_348 = vector.shape_cast %select_n3A_295 : vector<256xi32> to vector<1x256xi32>
    %broadcast_in_dim3A_349 = vector.shape_cast %select_n3A_305 : vector<256xi32> to vector<1x256xi32>
    %broadcast_in_dim3A_350 = vector.shape_cast %select_n3A_315 : vector<256xi32> to vector<1x256xi32>
    %broadcast_in_dim3A_351 = vector.shape_cast %select_n3A_325 : vector<256xi32> to vector<1x256xi32>
    %broadcast_in_dim3A_352 = vector.shape_cast %select_n3A_335 : vector<256xi32> to vector<1x256xi32>
    %broadcast_in_dim3A_353 = vector.shape_cast %select_n3A_345 : vector<256xi32> to vector<1x256xi32>
    %concatenate3A_354 = tpu.concatenate %broadcast_in_dim3A_346, %broadcast_in_dim3A_347, %broadcast_in_dim3A_348, %broadcast_in_dim3A_349, %broadcast_in_dim3A_350, %broadcast_in_dim3A_351, %broadcast_in_dim3A_352, %broadcast_in_dim3A_353 in 1 : vector<1x256xi32>, vector<1x256xi32>, vector<1x256xi32>, vector<1x256xi32>, vector<1x256xi32>, vector<1x256xi32>, vector<1x256xi32>, vector<1x256xi32> -> vector<1x2048xi32>
    %iota3A_355 = tpu.iota {dimensions = array<i32: 0>} : vector<256x1xi32>
    %add3A_356 = arith.constant 0 : i32
    %add3A_357 = vector.broadcast %add3A_356 : i32 to vector<256x1xi32>
    %add3A_358 = arith.addi %iota3A_355, %add3A_357 : vector<256x1xi32>
    %add3A_359 = arith.constant 1024 : i32
    %add3A_360 = vector.broadcast %add3A_359 : i32 to vector<256x1xi32>
    %add3A_361 = arith.addi %add3A_358, %add3A_360 : vector<256x1xi32>
    %eq3A_362 = vector.broadcast %concatenate3A_354 : vector<1x2048xi32> to vector<256x2048xi32>
    %eq3A_363 = vector.broadcast %add3A_361 : vector<256x1xi32> to vector<256x2048xi32>
    %eq3A_364 = arith.cmpi eq, %eq3A_362, %eq3A_363 : vector<256x2048xi32>
    %convert_element_type3A_365 = arith.extui %eq3A_364 : vector<256x2048xi1> to vector<256x2048xi32>
    %convert_element_type3A_366 = arith.sitofp %convert_element_type3A_365 : vector<256x2048xi32> to vector<256x2048xf32>
    %dot_general3A_367 = arith.constant dense<0.000000e+00> : vector<256x1xf32>
    %dot_general3A_368 = tpu.matmul %convert_element_type3A_366, %broadcast_in_dim3A_14, %dot_general3A_367 {dimension_numbers = #tpu.dot_dimension_numbers<[1], [0], [0], [1], [0, 0, 1, 1], [], []>, transpose_lhs_hint = false} : vector<256x2048xf32>, vector<2048x1xf32>, vector<256x1xf32> -> vector<256x1xf32>
    %squeeze3A_369 = vector.shape_cast %dot_general3A_368 : vector<256x1xf32> to vector<256xf32>
    %add3A_370 = arith.constant 1.000000e+00 : f32
    %add3A_371 = vector.broadcast %add3A_370 : f32 to vector<256xf32>
    %add3A_372 = arith.addf %add3A_371, %squeeze3A_369 : vector<256xf32>
    %div3A = arith.constant 1.000000e+00 : f32
    %div3A_373 = vector.broadcast %div3A : f32 to vector<256xf32>
    %div3A_374 = arith.divf %div3A_373, %add3A_372 : vector<256xf32>
    %iota3A_375 = tpu.iota {dimensions = array<i32: 0>} : vector<256x1xi32>
    %add3A_376 = arith.constant 256 : i32
    %add3A_377 = vector.broadcast %add3A_376 : i32 to vector<256x1xi32>
    %add3A_378 = arith.addi %iota3A_375, %add3A_377 : vector<256x1xi32>
    %add3A_379 = arith.constant 1024 : i32
    %add3A_380 = vector.broadcast %add3A_379 : i32 to vector<256x1xi32>
    %add3A_381 = arith.addi %add3A_378, %add3A_380 : vector<256x1xi32>
    %eq3A_382 = vector.broadcast %concatenate3A_354 : vector<1x2048xi32> to vector<256x2048xi32>
    %eq3A_383 = vector.broadcast %add3A_381 : vector<256x1xi32> to vector<256x2048xi32>
    %eq3A_384 = arith.cmpi eq, %eq3A_382, %eq3A_383 : vector<256x2048xi32>
    %convert_element_type3A_385 = arith.extui %eq3A_384 : vector<256x2048xi1> to vector<256x2048xi32>
    %convert_element_type3A_386 = arith.sitofp %convert_element_type3A_385 : vector<256x2048xi32> to vector<256x2048xf32>
    %dot_general3A_387 = arith.constant dense<0.000000e+00> : vector<256x1xf32>
    %dot_general3A_388 = tpu.matmul %convert_element_type3A_386, %broadcast_in_dim3A_14, %dot_general3A_387 {dimension_numbers = #tpu.dot_dimension_numbers<[1], [0], [0], [1], [0, 0, 1, 1], [], []>, transpose_lhs_hint = false} : vector<256x2048xf32>, vector<2048x1xf32>, vector<256x1xf32> -> vector<256x1xf32>
    %squeeze3A_389 = vector.shape_cast %dot_general3A_388 : vector<256x1xf32> to vector<256xf32>
    %add3A_390 = arith.constant 1.000000e+00 : f32
    %add3A_391 = vector.broadcast %add3A_390 : f32 to vector<256xf32>
    %add3A_392 = arith.addf %add3A_391, %squeeze3A_389 : vector<256xf32>
    %div3A_393 = arith.constant 1.000000e+00 : f32
    %div3A_394 = vector.broadcast %div3A_393 : f32 to vector<256xf32>
    %div3A_395 = arith.divf %div3A_394, %add3A_392 : vector<256xf32>
    %iota3A_396 = tpu.iota {dimensions = array<i32: 0>} : vector<256x1xi32>
    %add3A_397 = arith.constant 512 : i32
    %add3A_398 = vector.broadcast %add3A_397 : i32 to vector<256x1xi32>
    %add3A_399 = arith.addi %iota3A_396, %add3A_398 : vector<256x1xi32>
    %add3A_400 = arith.constant 1024 : i32
    %add3A_401 = vector.broadcast %add3A_400 : i32 to vector<256x1xi32>
    %add3A_402 = arith.addi %add3A_399, %add3A_401 : vector<256x1xi32>
    %eq3A_403 = vector.broadcast %concatenate3A_354 : vector<1x2048xi32> to vector<256x2048xi32>
    %eq3A_404 = vector.broadcast %add3A_402 : vector<256x1xi32> to vector<256x2048xi32>
    %eq3A_405 = arith.cmpi eq, %eq3A_403, %eq3A_404 : vector<256x2048xi32>
    %convert_element_type3A_406 = arith.extui %eq3A_405 : vector<256x2048xi1> to vector<256x2048xi32>
    %convert_element_type3A_407 = arith.sitofp %convert_element_type3A_406 : vector<256x2048xi32> to vector<256x2048xf32>
    %dot_general3A_408 = arith.constant dense<0.000000e+00> : vector<256x1xf32>
    %dot_general3A_409 = tpu.matmul %convert_element_type3A_407, %broadcast_in_dim3A_14, %dot_general3A_408 {dimension_numbers = #tpu.dot_dimension_numbers<[1], [0], [0], [1], [0, 0, 1, 1], [], []>, transpose_lhs_hint = false} : vector<256x2048xf32>, vector<2048x1xf32>, vector<256x1xf32> -> vector<256x1xf32>
    %squeeze3A_410 = vector.shape_cast %dot_general3A_409 : vector<256x1xf32> to vector<256xf32>
    %add3A_411 = arith.constant 1.000000e+00 : f32
    %add3A_412 = vector.broadcast %add3A_411 : f32 to vector<256xf32>
    %add3A_413 = arith.addf %add3A_412, %squeeze3A_410 : vector<256xf32>
    %div3A_414 = arith.constant 1.000000e+00 : f32
    %div3A_415 = vector.broadcast %div3A_414 : f32 to vector<256xf32>
    %div3A_416 = arith.divf %div3A_415, %add3A_413 : vector<256xf32>
    %iota3A_417 = tpu.iota {dimensions = array<i32: 0>} : vector<256x1xi32>
    %add3A_418 = arith.constant 768 : i32
    %add3A_419 = vector.broadcast %add3A_418 : i32 to vector<256x1xi32>
    %add3A_420 = arith.addi %iota3A_417, %add3A_419 : vector<256x1xi32>
    %add3A_421 = arith.constant 1024 : i32
    %add3A_422 = vector.broadcast %add3A_421 : i32 to vector<256x1xi32>
    %add3A_423 = arith.addi %add3A_420, %add3A_422 : vector<256x1xi32>
    %eq3A_424 = vector.broadcast %concatenate3A_354 : vector<1x2048xi32> to vector<256x2048xi32>
    %eq3A_425 = vector.broadcast %add3A_423 : vector<256x1xi32> to vector<256x2048xi32>
    %eq3A_426 = arith.cmpi eq, %eq3A_424, %eq3A_425 : vector<256x2048xi32>
    %convert_element_type3A_427 = arith.extui %eq3A_426 : vector<256x2048xi1> to vector<256x2048xi32>
    %convert_element_type3A_428 = arith.sitofp %convert_element_type3A_427 : vector<256x2048xi32> to vector<256x2048xf32>
    %dot_general3A_429 = arith.constant dense<0.000000e+00> : vector<256x1xf32>
    %dot_general3A_430 = tpu.matmul %convert_element_type3A_428, %broadcast_in_dim3A_14, %dot_general3A_429 {dimension_numbers = #tpu.dot_dimension_numbers<[1], [0], [0], [1], [0, 0, 1, 1], [], []>, transpose_lhs_hint = false} : vector<256x2048xf32>, vector<2048x1xf32>, vector<256x1xf32> -> vector<256x1xf32>
    %squeeze3A_431 = vector.shape_cast %dot_general3A_430 : vector<256x1xf32> to vector<256xf32>
    %add3A_432 = arith.constant 1.000000e+00 : f32
    %add3A_433 = vector.broadcast %add3A_432 : f32 to vector<256xf32>
    %add3A_434 = arith.addf %add3A_433, %squeeze3A_431 : vector<256xf32>
    %div3A_435 = arith.constant 1.000000e+00 : f32
    %div3A_436 = vector.broadcast %div3A_435 : f32 to vector<256xf32>
    %div3A_437 = arith.divf %div3A_436, %add3A_434 : vector<256xf32>
    %iota3A_438 = tpu.iota {dimensions = array<i32: 0>} : vector<256x1xi32>
    %add3A_439 = arith.constant 1024 : i32
    %add3A_440 = vector.broadcast %add3A_439 : i32 to vector<256x1xi32>
    %add3A_441 = arith.addi %iota3A_438, %add3A_440 : vector<256x1xi32>
    %add3A_442 = arith.constant 1024 : i32
    %add3A_443 = vector.broadcast %add3A_442 : i32 to vector<256x1xi32>
    %add3A_444 = arith.addi %add3A_441, %add3A_443 : vector<256x1xi32>
    %eq3A_445 = vector.broadcast %concatenate3A_354 : vector<1x2048xi32> to vector<256x2048xi32>
    %eq3A_446 = vector.broadcast %add3A_444 : vector<256x1xi32> to vector<256x2048xi32>
    %eq3A_447 = arith.cmpi eq, %eq3A_445, %eq3A_446 : vector<256x2048xi32>
    %convert_element_type3A_448 = arith.extui %eq3A_447 : vector<256x2048xi1> to vector<256x2048xi32>
    %convert_element_type3A_449 = arith.sitofp %convert_element_type3A_448 : vector<256x2048xi32> to vector<256x2048xf32>
    %dot_general3A_450 = arith.constant dense<0.000000e+00> : vector<256x1xf32>
    %dot_general3A_451 = tpu.matmul %convert_element_type3A_449, %broadcast_in_dim3A_14, %dot_general3A_450 {dimension_numbers = #tpu.dot_dimension_numbers<[1], [0], [0], [1], [0, 0, 1, 1], [], []>, transpose_lhs_hint = false} : vector<256x2048xf32>, vector<2048x1xf32>, vector<256x1xf32> -> vector<256x1xf32>
    %squeeze3A_452 = vector.shape_cast %dot_general3A_451 : vector<256x1xf32> to vector<256xf32>
    %add3A_453 = arith.constant 1.000000e+00 : f32
    %add3A_454 = vector.broadcast %add3A_453 : f32 to vector<256xf32>
    %add3A_455 = arith.addf %add3A_454, %squeeze3A_452 : vector<256xf32>
    %div3A_456 = arith.constant 1.000000e+00 : f32
    %div3A_457 = vector.broadcast %div3A_456 : f32 to vector<256xf32>
    %div3A_458 = arith.divf %div3A_457, %add3A_455 : vector<256xf32>
    %iota3A_459 = tpu.iota {dimensions = array<i32: 0>} : vector<256x1xi32>
    %add3A_460 = arith.constant 1280 : i32
    %add3A_461 = vector.broadcast %add3A_460 : i32 to vector<256x1xi32>
    %add3A_462 = arith.addi %iota3A_459, %add3A_461 : vector<256x1xi32>
    %add3A_463 = arith.constant 1024 : i32
    %add3A_464 = vector.broadcast %add3A_463 : i32 to vector<256x1xi32>
    %add3A_465 = arith.addi %add3A_462, %add3A_464 : vector<256x1xi32>
    %eq3A_466 = vector.broadcast %concatenate3A_354 : vector<1x2048xi32> to vector<256x2048xi32>
    %eq3A_467 = vector.broadcast %add3A_465 : vector<256x1xi32> to vector<256x2048xi32>
    %eq3A_468 = arith.cmpi eq, %eq3A_466, %eq3A_467 : vector<256x2048xi32>
    %convert_element_type3A_469 = arith.extui %eq3A_468 : vector<256x2048xi1> to vector<256x2048xi32>
    %convert_element_type3A_470 = arith.sitofp %convert_element_type3A_469 : vector<256x2048xi32> to vector<256x2048xf32>
    %dot_general3A_471 = arith.constant dense<0.000000e+00> : vector<256x1xf32>
    %dot_general3A_472 = tpu.matmul %convert_element_type3A_470, %broadcast_in_dim3A_14, %dot_general3A_471 {dimension_numbers = #tpu.dot_dimension_numbers<[1], [0], [0], [1], [0, 0, 1, 1], [], []>, transpose_lhs_hint = false} : vector<256x2048xf32>, vector<2048x1xf32>, vector<256x1xf32> -> vector<256x1xf32>
    %squeeze3A_473 = vector.shape_cast %dot_general3A_472 : vector<256x1xf32> to vector<256xf32>
    %add3A_474 = arith.constant 1.000000e+00 : f32
    %add3A_475 = vector.broadcast %add3A_474 : f32 to vector<256xf32>
    %add3A_476 = arith.addf %add3A_475, %squeeze3A_473 : vector<256xf32>
    %div3A_477 = arith.constant 1.000000e+00 : f32
    %div3A_478 = vector.broadcast %div3A_477 : f32 to vector<256xf32>
    %div3A_479 = arith.divf %div3A_478, %add3A_476 : vector<256xf32>
    %iota3A_480 = tpu.iota {dimensions = array<i32: 0>} : vector<256x1xi32>
    %add3A_481 = arith.constant 1536 : i32
    %add3A_482 = vector.broadcast %add3A_481 : i32 to vector<256x1xi32>
    %add3A_483 = arith.addi %iota3A_480, %add3A_482 : vector<256x1xi32>
    %add3A_484 = arith.constant 1024 : i32
    %add3A_485 = vector.broadcast %add3A_484 : i32 to vector<256x1xi32>
    %add3A_486 = arith.addi %add3A_483, %add3A_485 : vector<256x1xi32>
    %eq3A_487 = vector.broadcast %concatenate3A_354 : vector<1x2048xi32> to vector<256x2048xi32>
    %eq3A_488 = vector.broadcast %add3A_486 : vector<256x1xi32> to vector<256x2048xi32>
    %eq3A_489 = arith.cmpi eq, %eq3A_487, %eq3A_488 : vector<256x2048xi32>
    %convert_element_type3A_490 = arith.extui %eq3A_489 : vector<256x2048xi1> to vector<256x2048xi32>
    %convert_element_type3A_491 = arith.sitofp %convert_element_type3A_490 : vector<256x2048xi32> to vector<256x2048xf32>
    %dot_general3A_492 = arith.constant dense<0.000000e+00> : vector<256x1xf32>
    %dot_general3A_493 = tpu.matmul %convert_element_type3A_491, %broadcast_in_dim3A_14, %dot_general3A_492 {dimension_numbers = #tpu.dot_dimension_numbers<[1], [0], [0], [1], [0, 0, 1, 1], [], []>, transpose_lhs_hint = false} : vector<256x2048xf32>, vector<2048x1xf32>, vector<256x1xf32> -> vector<256x1xf32>
    %squeeze3A_494 = vector.shape_cast %dot_general3A_493 : vector<256x1xf32> to vector<256xf32>
    %add3A_495 = arith.constant 1.000000e+00 : f32
    %add3A_496 = vector.broadcast %add3A_495 : f32 to vector<256xf32>
    %add3A_497 = arith.addf %add3A_496, %squeeze3A_494 : vector<256xf32>
    %div3A_498 = arith.constant 1.000000e+00 : f32
    %div3A_499 = vector.broadcast %div3A_498 : f32 to vector<256xf32>
    %div3A_500 = arith.divf %div3A_499, %add3A_497 : vector<256xf32>
    %iota3A_501 = tpu.iota {dimensions = array<i32: 0>} : vector<256x1xi32>
    %add3A_502 = arith.constant 1792 : i32
    %add3A_503 = vector.broadcast %add3A_502 : i32 to vector<256x1xi32>
    %add3A_504 = arith.addi %iota3A_501, %add3A_503 : vector<256x1xi32>
    %add3A_505 = arith.constant 1024 : i32
    %add3A_506 = vector.broadcast %add3A_505 : i32 to vector<256x1xi32>
    %add3A_507 = arith.addi %add3A_504, %add3A_506 : vector<256x1xi32>
    %eq3A_508 = vector.broadcast %concatenate3A_354 : vector<1x2048xi32> to vector<256x2048xi32>
    %eq3A_509 = vector.broadcast %add3A_507 : vector<256x1xi32> to vector<256x2048xi32>
    %eq3A_510 = arith.cmpi eq, %eq3A_508, %eq3A_509 : vector<256x2048xi32>
    %convert_element_type3A_511 = arith.extui %eq3A_510 : vector<256x2048xi1> to vector<256x2048xi32>
    %convert_element_type3A_512 = arith.sitofp %convert_element_type3A_511 : vector<256x2048xi32> to vector<256x2048xf32>
    %dot_general3A_513 = arith.constant dense<0.000000e+00> : vector<256x1xf32>
    %dot_general3A_514 = tpu.matmul %convert_element_type3A_512, %broadcast_in_dim3A_14, %dot_general3A_513 {dimension_numbers = #tpu.dot_dimension_numbers<[1], [0], [0], [1], [0, 0, 1, 1], [], []>, transpose_lhs_hint = false} : vector<256x2048xf32>, vector<2048x1xf32>, vector<256x1xf32> -> vector<256x1xf32>
    %squeeze3A_515 = vector.shape_cast %dot_general3A_514 : vector<256x1xf32> to vector<256xf32>
    %add3A_516 = arith.constant 1.000000e+00 : f32
    %add3A_517 = vector.broadcast %add3A_516 : f32 to vector<256xf32>
    %add3A_518 = arith.addf %add3A_517, %squeeze3A_515 : vector<256xf32>
    %div3A_519 = arith.constant 1.000000e+00 : f32
    %div3A_520 = vector.broadcast %div3A_519 : f32 to vector<256xf32>
    %div3A_521 = arith.divf %div3A_520, %add3A_518 : vector<256xf32>
    %broadcast_in_dim3A_522 = vector.shape_cast %div3A_374 : vector<256xf32> to vector<1x256xf32>
    %broadcast_in_dim3A_523 = vector.shape_cast %div3A_395 : vector<256xf32> to vector<1x256xf32>
    %broadcast_in_dim3A_524 = vector.shape_cast %div3A_416 : vector<256xf32> to vector<1x256xf32>
    %broadcast_in_dim3A_525 = vector.shape_cast %div3A_437 : vector<256xf32> to vector<1x256xf32>
    %broadcast_in_dim3A_526 = vector.shape_cast %div3A_458 : vector<256xf32> to vector<1x256xf32>
    %broadcast_in_dim3A_527 = vector.shape_cast %div3A_479 : vector<256xf32> to vector<1x256xf32>
    %broadcast_in_dim3A_528 = vector.shape_cast %div3A_500 : vector<256xf32> to vector<1x256xf32>
    %broadcast_in_dim3A_529 = vector.shape_cast %div3A_521 : vector<256xf32> to vector<1x256xf32>
    %concatenate3A_530 = tpu.concatenate %broadcast_in_dim3A_522, %broadcast_in_dim3A_523, %broadcast_in_dim3A_524, %broadcast_in_dim3A_525, %broadcast_in_dim3A_526, %broadcast_in_dim3A_527, %broadcast_in_dim3A_528, %broadcast_in_dim3A_529 in 1 : vector<1x256xf32>, vector<1x256xf32>, vector<1x256xf32>, vector<1x256xf32>, vector<1x256xf32>, vector<1x256xf32>, vector<1x256xf32>, vector<1x256xf32> -> vector<1x2048xf32>
    %broadcast_in_dim3A_531 = arith.constant 0.000000e+00 : f32
    %broadcast_in_dim3A_532 = vector.broadcast %broadcast_in_dim3A_531 : f32 to vector<256x64xf32>
    %broadcast_in_dim3A_533 = vector.shape_cast %argmax3A : vector<256xi32> to vector<256x1xi32>
    %eq3A_534 = vector.broadcast %iota3A : vector<1x2048xi32> to vector<256x2048xi32>
    %eq3A_535 = vector.broadcast %broadcast_in_dim3A_533 : vector<256x1xi32> to vector<256x2048xi32>
    %eq3A_536 = arith.cmpi eq, %eq3A_534, %eq3A_535 : vector<256x2048xi32>
    %jit3A = arith.constant 0.000000e+00 : f32
    %broadcast_in_dim3A_537 = vector.shape_cast %concatenate3A_530 : vector<1x2048xf32> to vector<1x2048xf32>
    %broadcast_in_dim3A_538 = vector.broadcast %broadcast_in_dim3A_537 : vector<1x2048xf32> to vector<256x2048xf32>
    %broadcast_in_dim3A_539 = vector.broadcast %jit3A : f32 to vector<256x2048xf32>
    %select_n3A_540 = arith.select %eq3A_536, %broadcast_in_dim3A_538, %broadcast_in_dim3A_539 : vector<256x2048xi1>, vector<256x2048xf32>
    %reduce_sum3A = arith.constant dense<0.000000e+00> : vector<256xf32>
    %reduce_sum3A_541 = vector.multi_reduction <add>, %select_n3A_540, %reduce_sum3A [1] : vector<256x2048xf32> to vector<256xf32>
    %lt3A_542 = arith.constant 1024 : i32
    %lt3A_543 = vector.broadcast %lt3A_542 : i32 to vector<256xi32>
    %lt3A_544 = arith.cmpi slt, %convert_element_type3A_113, %lt3A_543 : vector<256xi32>
    %jit3A_545 = arith.constant 1.000000e+00 : f32
    %broadcast_in_dim3A_546 = vector.broadcast %jit3A_545 : f32 to vector<256xf32>
    %select_n3A_547 = arith.select %lt3A_544, %reduce_sum3A_541, %broadcast_in_dim3A_546 : vector<256xi1>, vector<256xf32>
    %slice3A = vector.extract_strided_slice %get3A_3 {offsets = [0, 0], sizes = [256, 64], strides = [1, 1]} : vector<2048x64xf32> to vector<256x64xf32>
    %broadcast_in_dim3A_548 = vector.shape_cast %select_n3A_547 : vector<256xf32> to vector<256x1xf32>
    %mul3A = vector.broadcast %broadcast_in_dim3A_548 : vector<256x1xf32> to vector<256x64xf32>
    %mul3A_549 = arith.mulf %slice3A, %mul3A : vector<256x64xf32>
    %concatenate3A_550 = tpu.concatenate %mul3A_549, %broadcast_in_dim3A_532 in 1 : vector<256x64xf32>, vector<256x64xf32> -> vector<256x128xf32>
    %swap3A = arith.constant 0 : index
    %swap3A_551 = arith.constant 0 : index
    %swap3A_552 = arith.constant 0 : index
    %swap3A_553 = vector.load %arg3[%swap3A, %swap3A_551, %swap3A_552] : memref<1x2048x128xf32, #tpu.memory_space<vmem>>, vector<1x256x128xf32>
    %swap3A_554 = vector.shape_cast %swap3A_553 : vector<1x256x128xf32> to vector<256x128xf32>
    %swap3A_555 = vector.shape_cast %concatenate3A_550 : vector<256x128xf32> to vector<1x256x128xf32>
    tpu.vector_store %arg3[%swap3A, %swap3A_551, %swap3A_552], %swap3A_555 {strides = array<i32>} : memref<1x2048x128xf32, #tpu.memory_space<vmem>>, vector<1x256x128xf32>,
    %slice3A_556 = vector.extract_strided_slice %get3A_8 {offsets = [0, 0], sizes = [256, 64], strides = [1, 1]} : vector<2048x64xf32> to vector<256x64xf32>
    %broadcast_in_dim3A_557 = vector.shape_cast %div3A_374 : vector<256xf32> to vector<256x1xf32>
    %mul3A_558 = vector.broadcast %broadcast_in_dim3A_557 : vector<256x1xf32> to vector<256x64xf32>
    %mul3A_559 = arith.mulf %slice3A_556, %mul3A_558 : vector<256x64xf32>
    %concatenate3A_560 = tpu.concatenate %mul3A_559, %broadcast_in_dim3A_532 in 1 : vector<256x64xf32>, vector<256x64xf32> -> vector<256x128xf32>
    %swap3A_561 = arith.constant 0 : index
    %swap3A_562 = arith.constant 0 : index
    %swap3A_563 = arith.constant 0 : index
    %swap3A_564 = vector.load %arg4[%swap3A_561, %swap3A_562, %swap3A_563] : memref<1x2048x128xf32, #tpu.memory_space<vmem>>, vector<1x256x128xf32>
    %swap3A_565 = vector.shape_cast %swap3A_564 : vector<1x256x128xf32> to vector<256x128xf32>
    %swap3A_566 = vector.shape_cast %concatenate3A_560 : vector<256x128xf32> to vector<1x256x128xf32>
    tpu.vector_store %arg4[%swap3A_561, %swap3A_562, %swap3A_563], %swap3A_566 {strides = array<i32>} : memref<1x2048x128xf32, #tpu.memory_space<vmem>>, vector<1x256x128xf32>,
    %reshape3A = vector.shape_cast %select_n3A : vector<256xi32> to vector<2x128xi32>
    %swap3A_567 = arith.constant 0 : index
    %swap3A_568 = arith.constant 0 : index
    %swap3A_569 = arith.constant 0 : index
    %swap3A_570 = vector.load %arg5[%swap3A_567, %swap3A_568, %swap3A_569] : memref<1x16x128xi32, #tpu.memory_space<vmem>>, vector<1x2x128xi32>
    %swap3A_571 = vector.shape_cast %swap3A_570 : vector<1x2x128xi32> to vector<2x128xi32>
    %swap3A_572 = vector.shape_cast %reshape3A : vector<2x128xi32> to vector<1x2x128xi32>
    tpu.vector_store %arg5[%swap3A_567, %swap3A_568, %swap3A_569], %swap3A_572 {strides = array<i32>} : memref<1x16x128xi32, #tpu.memory_space<vmem>>, vector<1x2x128xi32>,
    %broadcast_in_dim3A_573 = vector.shape_cast %argmax3A_31 : vector<256xi32> to vector<256x1xi32>
    %eq3A_574 = vector.broadcast %iota3A : vector<1x2048xi32> to vector<256x2048xi32>
    %eq3A_575 = vector.broadcast %broadcast_in_dim3A_573 : vector<256x1xi32> to vector<256x2048xi32>
    %eq3A_576 = arith.cmpi eq, %eq3A_574, %eq3A_575 : vector<256x2048xi32>
    %jit3A_577 = arith.constant 0.000000e+00 : f32
    %broadcast_in_dim3A_578 = vector.shape_cast %concatenate3A_530 : vector<1x2048xf32> to vector<1x2048xf32>
    %broadcast_in_dim3A_579 = vector.broadcast %broadcast_in_dim3A_578 : vector<1x2048xf32> to vector<256x2048xf32>
    %broadcast_in_dim3A_580 = vector.broadcast %jit3A_577 : f32 to vector<256x2048xf32>
    %select_n3A_581 = arith.select %eq3A_576, %broadcast_in_dim3A_579, %broadcast_in_dim3A_580 : vector<256x2048xi1>, vector<256x2048xf32>
    %reduce_sum3A_582 = arith.constant dense<0.000000e+00> : vector<256xf32>
    %reduce_sum3A_583 = vector.multi_reduction <add>, %select_n3A_581, %reduce_sum3A_582 [1] : vector<256x2048xf32> to vector<256xf32>
    %lt3A_584 = arith.constant 1024 : i32
    %lt3A_585 = vector.broadcast %lt3A_584 : i32 to vector<256xi32>
    %lt3A_586 = arith.cmpi slt, %convert_element_type3A_135, %lt3A_585 : vector<256xi32>
    %jit3A_587 = arith.constant 1.000000e+00 : f32
    %broadcast_in_dim3A_588 = vector.broadcast %jit3A_587 : f32 to vector<256xf32>
    %select_n3A_589 = arith.select %lt3A_586, %reduce_sum3A_583, %broadcast_in_dim3A_588 : vector<256xi1>, vector<256xf32>
    %slice3A_590 = vector.extract_strided_slice %get3A_3 {offsets = [256, 0], sizes = [256, 64], strides = [1, 1]} : vector<2048x64xf32> to vector<256x64xf32>
    %broadcast_in_dim3A_591 = vector.shape_cast %select_n3A_589 : vector<256xf32> to vector<256x1xf32>
    %mul3A_592 = vector.broadcast %broadcast_in_dim3A_591 : vector<256x1xf32> to vector<256x64xf32>
    %mul3A_593 = arith.mulf %slice3A_590, %mul3A_592 : vector<256x64xf32>
    %concatenate3A_594 = tpu.concatenate %mul3A_593, %broadcast_in_dim3A_532 in 1 : vector<256x64xf32>, vector<256x64xf32> -> vector<256x128xf32>
    %swap3A_595 = arith.constant 0 : index
    %swap3A_596 = arith.constant 256 : index
    %swap3A_597 = arith.constant 0 : index
    %swap3A_598 = vector.load %arg3[%swap3A_595, %swap3A_596, %swap3A_597] : memref<1x2048x128xf32, #tpu.memory_space<vmem>>, vector<1x256x128xf32>
    %swap3A_599 = vector.shape_cast %swap3A_598 : vector<1x256x128xf32> to vector<256x128xf32>
    %swap3A_600 = vector.shape_cast %concatenate3A_594 : vector<256x128xf32> to vector<1x256x128xf32>
    tpu.vector_store %arg3[%swap3A_595, %swap3A_596, %swap3A_597], %swap3A_600 {strides = array<i32>} : memref<1x2048x128xf32, #tpu.memory_space<vmem>>, vector<1x256x128xf32>,
    %slice3A_601 = vector.extract_strided_slice %get3A_8 {offsets = [256, 0], sizes = [256, 64], strides = [1, 1]} : vector<2048x64xf32> to vector<256x64xf32>
    %broadcast_in_dim3A_602 = vector.shape_cast %div3A_395 : vector<256xf32> to vector<256x1xf32>
    %mul3A_603 = vector.broadcast %broadcast_in_dim3A_602 : vector<256x1xf32> to vector<256x64xf32>
    %mul3A_604 = arith.mulf %slice3A_601, %mul3A_603 : vector<256x64xf32>
    %concatenate3A_605 = tpu.concatenate %mul3A_604, %broadcast_in_dim3A_532 in 1 : vector<256x64xf32>, vector<256x64xf32> -> vector<256x128xf32>
    %swap3A_606 = arith.constant 0 : index
    %swap3A_607 = arith.constant 256 : index
    %swap3A_608 = arith.constant 0 : index
    %swap3A_609 = vector.load %arg4[%swap3A_606, %swap3A_607, %swap3A_608] : memref<1x2048x128xf32, #tpu.memory_space<vmem>>, vector<1x256x128xf32>
    %swap3A_610 = vector.shape_cast %swap3A_609 : vector<1x256x128xf32> to vector<256x128xf32>
    %swap3A_611 = vector.shape_cast %concatenate3A_605 : vector<256x128xf32> to vector<1x256x128xf32>
    tpu.vector_store %arg4[%swap3A_606, %swap3A_607, %swap3A_608], %swap3A_611 {strides = array<i32>} : memref<1x2048x128xf32, #tpu.memory_space<vmem>>, vector<1x256x128xf32>,
    %reshape3A_612 = vector.shape_cast %select_n3A_285 : vector<256xi32> to vector<2x128xi32>
    %swap3A_613 = arith.constant 0 : index
    %swap3A_614 = arith.constant 2 : index
    %swap3A_615 = arith.constant 0 : index
    %swap3A_616 = vector.load %arg5[%swap3A_613, %swap3A_614, %swap3A_615] : memref<1x16x128xi32, #tpu.memory_space<vmem>>, vector<1x2x128xi32>
    %swap3A_617 = vector.shape_cast %swap3A_616 : vector<1x2x128xi32> to vector<2x128xi32>
    %swap3A_618 = vector.shape_cast %reshape3A_612 : vector<2x128xi32> to vector<1x2x128xi32>
    tpu.vector_store %arg5[%swap3A_613, %swap3A_614, %swap3A_615], %swap3A_618 {strides = array<i32>} : memref<1x16x128xi32, #tpu.memory_space<vmem>>, vector<1x2x128xi32>,
    %broadcast_in_dim3A_619 = vector.shape_cast %argmax3A_41 : vector<256xi32> to vector<256x1xi32>
    %eq3A_620 = vector.broadcast %iota3A : vector<1x2048xi32> to vector<256x2048xi32>
    %eq3A_621 = vector.broadcast %broadcast_in_dim3A_619 : vector<256x1xi32> to vector<256x2048xi32>
    %eq3A_622 = arith.cmpi eq, %eq3A_620, %eq3A_621 : vector<256x2048xi32>
    %jit3A_623 = arith.constant 0.000000e+00 : f32
    %broadcast_in_dim3A_624 = vector.shape_cast %concatenate3A_530 : vector<1x2048xf32> to vector<1x2048xf32>
    %broadcast_in_dim3A_625 = vector.broadcast %broadcast_in_dim3A_624 : vector<1x2048xf32> to vector<256x2048xf32>
    %broadcast_in_dim3A_626 = vector.broadcast %jit3A_623 : f32 to vector<256x2048xf32>
    %select_n3A_627 = arith.select %eq3A_622, %broadcast_in_dim3A_625, %broadcast_in_dim3A_626 : vector<256x2048xi1>, vector<256x2048xf32>
    %reduce_sum3A_628 = arith.constant dense<0.000000e+00> : vector<256xf32>
    %reduce_sum3A_629 = vector.multi_reduction <add>, %select_n3A_627, %reduce_sum3A_628 [1] : vector<256x2048xf32> to vector<256xf32>
    %lt3A_630 = arith.constant 1024 : i32
    %lt3A_631 = vector.broadcast %lt3A_630 : i32 to vector<256xi32>
    %lt3A_632 = arith.cmpi slt, %convert_element_type3A_157, %lt3A_631 : vector<256xi32>
    %jit3A_633 = arith.constant 1.000000e+00 : f32
    %broadcast_in_dim3A_634 = vector.broadcast %jit3A_633 : f32 to vector<256xf32>
    %select_n3A_635 = arith.select %lt3A_632, %reduce_sum3A_629, %broadcast_in_dim3A_634 : vector<256xi1>, vector<256xf32>
    %slice3A_636 = vector.extract_strided_slice %get3A_3 {offsets = [512, 0], sizes = [256, 64], strides = [1, 1]} : vector<2048x64xf32> to vector<256x64xf32>
    %broadcast_in_dim3A_637 = vector.shape_cast %select_n3A_635 : vector<256xf32> to vector<256x1xf32>
    %mul3A_638 = vector.broadcast %broadcast_in_dim3A_637 : vector<256x1xf32> to vector<256x64xf32>
    %mul3A_639 = arith.mulf %slice3A_636, %mul3A_638 : vector<256x64xf32>
    %concatenate3A_640 = tpu.concatenate %mul3A_639, %broadcast_in_dim3A_532 in 1 : vector<256x64xf32>, vector<256x64xf32> -> vector<256x128xf32>
    %swap3A_641 = arith.constant 0 : index
    %swap3A_642 = arith.constant 512 : index
    %swap3A_643 = arith.constant 0 : index
    %swap3A_644 = vector.load %arg3[%swap3A_641, %swap3A_642, %swap3A_643] : memref<1x2048x128xf32, #tpu.memory_space<vmem>>, vector<1x256x128xf32>
    %swap3A_645 = vector.shape_cast %swap3A_644 : vector<1x256x128xf32> to vector<256x128xf32>
    %swap3A_646 = vector.shape_cast %concatenate3A_640 : vector<256x128xf32> to vector<1x256x128xf32>
    tpu.vector_store %arg3[%swap3A_641, %swap3A_642, %swap3A_643], %swap3A_646 {strides = array<i32>} : memref<1x2048x128xf32, #tpu.memory_space<vmem>>, vector<1x256x128xf32>,
    %slice3A_647 = vector.extract_strided_slice %get3A_8 {offsets = [512, 0], sizes = [256, 64], strides = [1, 1]} : vector<2048x64xf32> to vector<256x64xf32>
    %broadcast_in_dim3A_648 = vector.shape_cast %div3A_416 : vector<256xf32> to vector<256x1xf32>
    %mul3A_649 = vector.broadcast %broadcast_in_dim3A_648 : vector<256x1xf32> to vector<256x64xf32>
    %mul3A_650 = arith.mulf %slice3A_647, %mul3A_649 : vector<256x64xf32>
    %concatenate3A_651 = tpu.concatenate %mul3A_650, %broadcast_in_dim3A_532 in 1 : vector<256x64xf32>, vector<256x64xf32> -> vector<256x128xf32>
    %swap3A_652 = arith.constant 0 : index
    %swap3A_653 = arith.constant 512 : index
    %swap3A_654 = arith.constant 0 : index
    %swap3A_655 = vector.load %arg4[%swap3A_652, %swap3A_653, %swap3A_654] : memref<1x2048x128xf32, #tpu.memory_space<vmem>>, vector<1x256x128xf32>
    %swap3A_656 = vector.shape_cast %swap3A_655 : vector<1x256x128xf32> to vector<256x128xf32>
    %swap3A_657 = vector.shape_cast %concatenate3A_651 : vector<256x128xf32> to vector<1x256x128xf32>
    tpu.vector_store %arg4[%swap3A_652, %swap3A_653, %swap3A_654], %swap3A_657 {strides = array<i32>} : memref<1x2048x128xf32, #tpu.memory_space<vmem>>, vector<1x256x128xf32>,
    %reshape3A_658 = vector.shape_cast %select_n3A_295 : vector<256xi32> to vector<2x128xi32>
    %swap3A_659 = arith.constant 0 : index
    %swap3A_660 = arith.constant 4 : index
    %swap3A_661 = arith.constant 0 : index
    %swap3A_662 = vector.load %arg5[%swap3A_659, %swap3A_660, %swap3A_661] : memref<1x16x128xi32, #tpu.memory_space<vmem>>, vector<1x2x128xi32>
    %swap3A_663 = vector.shape_cast %swap3A_662 : vector<1x2x128xi32> to vector<2x128xi32>
    %swap3A_664 = vector.shape_cast %reshape3A_658 : vector<2x128xi32> to vector<1x2x128xi32>
    tpu.vector_store %arg5[%swap3A_659, %swap3A_660, %swap3A_661], %swap3A_664 {strides = array<i32>} : memref<1x16x128xi32, #tpu.memory_space<vmem>>, vector<1x2x128xi32>,
    %broadcast_in_dim3A_665 = vector.shape_cast %argmax3A_51 : vector<256xi32> to vector<256x1xi32>
    %eq3A_666 = vector.broadcast %iota3A : vector<1x2048xi32> to vector<256x2048xi32>
    %eq3A_667 = vector.broadcast %broadcast_in_dim3A_665 : vector<256x1xi32> to vector<256x2048xi32>
    %eq3A_668 = arith.cmpi eq, %eq3A_666, %eq3A_667 : vector<256x2048xi32>
    %jit3A_669 = arith.constant 0.000000e+00 : f32
    %broadcast_in_dim3A_670 = vector.shape_cast %concatenate3A_530 : vector<1x2048xf32> to vector<1x2048xf32>
    %broadcast_in_dim3A_671 = vector.broadcast %broadcast_in_dim3A_670 : vector<1x2048xf32> to vector<256x2048xf32>
    %broadcast_in_dim3A_672 = vector.broadcast %jit3A_669 : f32 to vector<256x2048xf32>
    %select_n3A_673 = arith.select %eq3A_668, %broadcast_in_dim3A_671, %broadcast_in_dim3A_672 : vector<256x2048xi1>, vector<256x2048xf32>
    %reduce_sum3A_674 = arith.constant dense<0.000000e+00> : vector<256xf32>
    %reduce_sum3A_675 = vector.multi_reduction <add>, %select_n3A_673, %reduce_sum3A_674 [1] : vector<256x2048xf32> to vector<256xf32>
    %lt3A_676 = arith.constant 1024 : i32
    %lt3A_677 = vector.broadcast %lt3A_676 : i32 to vector<256xi32>
    %lt3A_678 = arith.cmpi slt, %convert_element_type3A_179, %lt3A_677 : vector<256xi32>
    %jit3A_679 = arith.constant 1.000000e+00 : f32
    %broadcast_in_dim3A_680 = vector.broadcast %jit3A_679 : f32 to vector<256xf32>
    %select_n3A_681 = arith.select %lt3A_678, %reduce_sum3A_675, %broadcast_in_dim3A_680 : vector<256xi1>, vector<256xf32>
    %slice3A_682 = vector.extract_strided_slice %get3A_3 {offsets = [768, 0], sizes = [256, 64], strides = [1, 1]} : vector<2048x64xf32> to vector<256x64xf32>
    %broadcast_in_dim3A_683 = vector.shape_cast %select_n3A_681 : vector<256xf32> to vector<256x1xf32>
    %mul3A_684 = vector.broadcast %broadcast_in_dim3A_683 : vector<256x1xf32> to vector<256x64xf32>
    %mul3A_685 = arith.mulf %slice3A_682, %mul3A_684 : vector<256x64xf32>
    %concatenate3A_686 = tpu.concatenate %mul3A_685, %broadcast_in_dim3A_532 in 1 : vector<256x64xf32>, vector<256x64xf32> -> vector<256x128xf32>
    %swap3A_687 = arith.constant 0 : index
    %swap3A_688 = arith.constant 768 : index
    %swap3A_689 = arith.constant 0 : index
    %swap3A_690 = vector.load %arg3[%swap3A_687, %swap3A_688, %swap3A_689] : memref<1x2048x128xf32, #tpu.memory_space<vmem>>, vector<1x256x128xf32>
    %swap3A_691 = vector.shape_cast %swap3A_690 : vector<1x256x128xf32> to vector<256x128xf32>
    %swap3A_692 = vector.shape_cast %concatenate3A_686 : vector<256x128xf32> to vector<1x256x128xf32>
    tpu.vector_store %arg3[%swap3A_687, %swap3A_688, %swap3A_689], %swap3A_692 {strides = array<i32>} : memref<1x2048x128xf32, #tpu.memory_space<vmem>>, vector<1x256x128xf32>,
    %slice3A_693 = vector.extract_strided_slice %get3A_8 {offsets = [768, 0], sizes = [256, 64], strides = [1, 1]} : vector<2048x64xf32> to vector<256x64xf32>
    %broadcast_in_dim3A_694 = vector.shape_cast %div3A_437 : vector<256xf32> to vector<256x1xf32>
    %mul3A_695 = vector.broadcast %broadcast_in_dim3A_694 : vector<256x1xf32> to vector<256x64xf32>
    %mul3A_696 = arith.mulf %slice3A_693, %mul3A_695 : vector<256x64xf32>
    %concatenate3A_697 = tpu.concatenate %mul3A_696, %broadcast_in_dim3A_532 in 1 : vector<256x64xf32>, vector<256x64xf32> -> vector<256x128xf32>
    %swap3A_698 = arith.constant 0 : index
    %swap3A_699 = arith.constant 768 : index
    %swap3A_700 = arith.constant 0 : index
    %swap3A_701 = vector.load %arg4[%swap3A_698, %swap3A_699, %swap3A_700] : memref<1x2048x128xf32, #tpu.memory_space<vmem>>, vector<1x256x128xf32>
    %swap3A_702 = vector.shape_cast %swap3A_701 : vector<1x256x128xf32> to vector<256x128xf32>
    %swap3A_703 = vector.shape_cast %concatenate3A_697 : vector<256x128xf32> to vector<1x256x128xf32>
    tpu.vector_store %arg4[%swap3A_698, %swap3A_699, %swap3A_700], %swap3A_703 {strides = array<i32>} : memref<1x2048x128xf32, #tpu.memory_space<vmem>>, vector<1x256x128xf32>,
    %reshape3A_704 = vector.shape_cast %select_n3A_305 : vector<256xi32> to vector<2x128xi32>
    %swap3A_705 = arith.constant 0 : index
    %swap3A_706 = arith.constant 6 : index
    %swap3A_707 = arith.constant 0 : index
    %swap3A_708 = vector.load %arg5[%swap3A_705, %swap3A_706, %swap3A_707] : memref<1x16x128xi32, #tpu.memory_space<vmem>>, vector<1x2x128xi32>
    %swap3A_709 = vector.shape_cast %swap3A_708 : vector<1x2x128xi32> to vector<2x128xi32>
    %swap3A_710 = vector.shape_cast %reshape3A_704 : vector<2x128xi32> to vector<1x2x128xi32>
    tpu.vector_store %arg5[%swap3A_705, %swap3A_706, %swap3A_707], %swap3A_710 {strides = array<i32>} : memref<1x16x128xi32, #tpu.memory_space<vmem>>, vector<1x2x128xi32>,
    %broadcast_in_dim3A_711 = vector.shape_cast %argmax3A_61 : vector<256xi32> to vector<256x1xi32>
    %eq3A_712 = vector.broadcast %iota3A : vector<1x2048xi32> to vector<256x2048xi32>
    %eq3A_713 = vector.broadcast %broadcast_in_dim3A_711 : vector<256x1xi32> to vector<256x2048xi32>
    %eq3A_714 = arith.cmpi eq, %eq3A_712, %eq3A_713 : vector<256x2048xi32>
    %jit3A_715 = arith.constant 0.000000e+00 : f32
    %broadcast_in_dim3A_716 = vector.shape_cast %concatenate3A_530 : vector<1x2048xf32> to vector<1x2048xf32>
    %broadcast_in_dim3A_717 = vector.broadcast %broadcast_in_dim3A_716 : vector<1x2048xf32> to vector<256x2048xf32>
    %broadcast_in_dim3A_718 = vector.broadcast %jit3A_715 : f32 to vector<256x2048xf32>
    %select_n3A_719 = arith.select %eq3A_714, %broadcast_in_dim3A_717, %broadcast_in_dim3A_718 : vector<256x2048xi1>, vector<256x2048xf32>
    %reduce_sum3A_720 = arith.constant dense<0.000000e+00> : vector<256xf32>
    %reduce_sum3A_721 = vector.multi_reduction <add>, %select_n3A_719, %reduce_sum3A_720 [1] : vector<256x2048xf32> to vector<256xf32>
    %lt3A_722 = arith.constant 1024 : i32
    %lt3A_723 = vector.broadcast %lt3A_722 : i32 to vector<256xi32>
    %lt3A_724 = arith.cmpi slt, %convert_element_type3A_201, %lt3A_723 : vector<256xi32>
    %jit3A_725 = arith.constant 1.000000e+00 : f32
    %broadcast_in_dim3A_726 = vector.broadcast %jit3A_725 : f32 to vector<256xf32>
    %select_n3A_727 = arith.select %lt3A_724, %reduce_sum3A_721, %broadcast_in_dim3A_726 : vector<256xi1>, vector<256xf32>
    %slice3A_728 = vector.extract_strided_slice %get3A_3 {offsets = [1024, 0], sizes = [256, 64], strides = [1, 1]} : vector<2048x64xf32> to vector<256x64xf32>
    %broadcast_in_dim3A_729 = vector.shape_cast %select_n3A_727 : vector<256xf32> to vector<256x1xf32>
    %mul3A_730 = vector.broadcast %broadcast_in_dim3A_729 : vector<256x1xf32> to vector<256x64xf32>
    %mul3A_731 = arith.mulf %slice3A_728, %mul3A_730 : vector<256x64xf32>
    %concatenate3A_732 = tpu.concatenate %mul3A_731, %broadcast_in_dim3A_532 in 1 : vector<256x64xf32>, vector<256x64xf32> -> vector<256x128xf32>
    %swap3A_733 = arith.constant 0 : index
    %swap3A_734 = arith.constant 1024 : index
    %swap3A_735 = arith.constant 0 : index
    %swap3A_736 = vector.load %arg3[%swap3A_733, %swap3A_734, %swap3A_735] : memref<1x2048x128xf32, #tpu.memory_space<vmem>>, vector<1x256x128xf32>
    %swap3A_737 = vector.shape_cast %swap3A_736 : vector<1x256x128xf32> to vector<256x128xf32>
    %swap3A_738 = vector.shape_cast %concatenate3A_732 : vector<256x128xf32> to vector<1x256x128xf32>
    tpu.vector_store %arg3[%swap3A_733, %swap3A_734, %swap3A_735], %swap3A_738 {strides = array<i32>} : memref<1x2048x128xf32, #tpu.memory_space<vmem>>, vector<1x256x128xf32>,
    %slice3A_739 = vector.extract_strided_slice %get3A_8 {offsets = [1024, 0], sizes = [256, 64], strides = [1, 1]} : vector<2048x64xf32> to vector<256x64xf32>
    %broadcast_in_dim3A_740 = vector.shape_cast %div3A_458 : vector<256xf32> to vector<256x1xf32>
    %mul3A_741 = vector.broadcast %broadcast_in_dim3A_740 : vector<256x1xf32> to vector<256x64xf32>
    %mul3A_742 = arith.mulf %slice3A_739, %mul3A_741 : vector<256x64xf32>
    %concatenate3A_743 = tpu.concatenate %mul3A_742, %broadcast_in_dim3A_532 in 1 : vector<256x64xf32>, vector<256x64xf32> -> vector<256x128xf32>
    %swap3A_744 = arith.constant 0 : index
    %swap3A_745 = arith.constant 1024 : index
    %swap3A_746 = arith.constant 0 : index
    %swap3A_747 = vector.load %arg4[%swap3A_744, %swap3A_745, %swap3A_746] : memref<1x2048x128xf32, #tpu.memory_space<vmem>>, vector<1x256x128xf32>
    %swap3A_748 = vector.shape_cast %swap3A_747 : vector<1x256x128xf32> to vector<256x128xf32>
    %swap3A_749 = vector.shape_cast %concatenate3A_743 : vector<256x128xf32> to vector<1x256x128xf32>
    tpu.vector_store %arg4[%swap3A_744, %swap3A_745, %swap3A_746], %swap3A_749 {strides = array<i32>} : memref<1x2048x128xf32, #tpu.memory_space<vmem>>, vector<1x256x128xf32>,
    %reshape3A_750 = vector.shape_cast %select_n3A_315 : vector<256xi32> to vector<2x128xi32>
    %swap3A_751 = arith.constant 0 : index
    %swap3A_752 = arith.constant 8 : index
    %swap3A_753 = arith.constant 0 : index
    %swap3A_754 = vector.load %arg5[%swap3A_751, %swap3A_752, %swap3A_753] : memref<1x16x128xi32, #tpu.memory_space<vmem>>, vector<1x2x128xi32>
    %swap3A_755 = vector.shape_cast %swap3A_754 : vector<1x2x128xi32> to vector<2x128xi32>
    %swap3A_756 = vector.shape_cast %reshape3A_750 : vector<2x128xi32> to vector<1x2x128xi32>
    tpu.vector_store %arg5[%swap3A_751, %swap3A_752, %swap3A_753], %swap3A_756 {strides = array<i32>} : memref<1x16x128xi32, #tpu.memory_space<vmem>>, vector<1x2x128xi32>,
    %broadcast_in_dim3A_757 = vector.shape_cast %argmax3A_71 : vector<256xi32> to vector<256x1xi32>
    %eq3A_758 = vector.broadcast %iota3A : vector<1x2048xi32> to vector<256x2048xi32>
    %eq3A_759 = vector.broadcast %broadcast_in_dim3A_757 : vector<256x1xi32> to vector<256x2048xi32>
    %eq3A_760 = arith.cmpi eq, %eq3A_758, %eq3A_759 : vector<256x2048xi32>
    %jit3A_761 = arith.constant 0.000000e+00 : f32
    %broadcast_in_dim3A_762 = vector.shape_cast %concatenate3A_530 : vector<1x2048xf32> to vector<1x2048xf32>
    %broadcast_in_dim3A_763 = vector.broadcast %broadcast_in_dim3A_762 : vector<1x2048xf32> to vector<256x2048xf32>
    %broadcast_in_dim3A_764 = vector.broadcast %jit3A_761 : f32 to vector<256x2048xf32>
    %select_n3A_765 = arith.select %eq3A_760, %broadcast_in_dim3A_763, %broadcast_in_dim3A_764 : vector<256x2048xi1>, vector<256x2048xf32>
    %reduce_sum3A_766 = arith.constant dense<0.000000e+00> : vector<256xf32>
    %reduce_sum3A_767 = vector.multi_reduction <add>, %select_n3A_765, %reduce_sum3A_766 [1] : vector<256x2048xf32> to vector<256xf32>
    %lt3A_768 = arith.constant 1024 : i32
    %lt3A_769 = vector.broadcast %lt3A_768 : i32 to vector<256xi32>
    %lt3A_770 = arith.cmpi slt, %convert_element_type3A_223, %lt3A_769 : vector<256xi32>
    %jit3A_771 = arith.constant 1.000000e+00 : f32
    %broadcast_in_dim3A_772 = vector.broadcast %jit3A_771 : f32 to vector<256xf32>
    %select_n3A_773 = arith.select %lt3A_770, %reduce_sum3A_767, %broadcast_in_dim3A_772 : vector<256xi1>, vector<256xf32>
    %slice3A_774 = vector.extract_strided_slice %get3A_3 {offsets = [1280, 0], sizes = [256, 64], strides = [1, 1]} : vector<2048x64xf32> to vector<256x64xf32>
    %broadcast_in_dim3A_775 = vector.shape_cast %select_n3A_773 : vector<256xf32> to vector<256x1xf32>
    %mul3A_776 = vector.broadcast %broadcast_in_dim3A_775 : vector<256x1xf32> to vector<256x64xf32>
    %mul3A_777 = arith.mulf %slice3A_774, %mul3A_776 : vector<256x64xf32>
    %concatenate3A_778 = tpu.concatenate %mul3A_777, %broadcast_in_dim3A_532 in 1 : vector<256x64xf32>, vector<256x64xf32> -> vector<256x128xf32>
    %swap3A_779 = arith.constant 0 : index
    %swap3A_780 = arith.constant 1280 : index
    %swap3A_781 = arith.constant 0 : index
    %swap3A_782 = vector.load %arg3[%swap3A_779, %swap3A_780, %swap3A_781] : memref<1x2048x128xf32, #tpu.memory_space<vmem>>, vector<1x256x128xf32>
    %swap3A_783 = vector.shape_cast %swap3A_782 : vector<1x256x128xf32> to vector<256x128xf32>
    %swap3A_784 = vector.shape_cast %concatenate3A_778 : vector<256x128xf32> to vector<1x256x128xf32>
    tpu.vector_store %arg3[%swap3A_779, %swap3A_780, %swap3A_781], %swap3A_784 {strides = array<i32>} : memref<1x2048x128xf32, #tpu.memory_space<vmem>>, vector<1x256x128xf32>,
    %slice3A_785 = vector.extract_strided_slice %get3A_8 {offsets = [1280, 0], sizes = [256, 64], strides = [1, 1]} : vector<2048x64xf32> to vector<256x64xf32>
    %broadcast_in_dim3A_786 = vector.shape_cast %div3A_479 : vector<256xf32> to vector<256x1xf32>
    %mul3A_787 = vector.broadcast %broadcast_in_dim3A_786 : vector<256x1xf32> to vector<256x64xf32>
    %mul3A_788 = arith.mulf %slice3A_785, %mul3A_787 : vector<256x64xf32>
    %concatenate3A_789 = tpu.concatenate %mul3A_788, %broadcast_in_dim3A_532 in 1 : vector<256x64xf32>, vector<256x64xf32> -> vector<256x128xf32>
    %swap3A_790 = arith.constant 0 : index
    %swap3A_791 = arith.constant 1280 : index
    %swap3A_792 = arith.constant 0 : index
    %swap3A_793 = vector.load %arg4[%swap3A_790, %swap3A_791, %swap3A_792] : memref<1x2048x128xf32, #tpu.memory_space<vmem>>, vector<1x256x128xf32>
    %swap3A_794 = vector.shape_cast %swap3A_793 : vector<1x256x128xf32> to vector<256x128xf32>
    %swap3A_795 = vector.shape_cast %concatenate3A_789 : vector<256x128xf32> to vector<1x256x128xf32>
    tpu.vector_store %arg4[%swap3A_790, %swap3A_791, %swap3A_792], %swap3A_795 {strides = array<i32>} : memref<1x2048x128xf32, #tpu.memory_space<vmem>>, vector<1x256x128xf32>,
    %reshape3A_796 = vector.shape_cast %select_n3A_325 : vector<256xi32> to vector<2x128xi32>
    %swap3A_797 = arith.constant 0 : index
    %swap3A_798 = arith.constant 10 : index
    %swap3A_799 = arith.constant 0 : index
    %swap3A_800 = vector.load %arg5[%swap3A_797, %swap3A_798, %swap3A_799] : memref<1x16x128xi32, #tpu.memory_space<vmem>>, vector<1x2x128xi32>
    %swap3A_801 = vector.shape_cast %swap3A_800 : vector<1x2x128xi32> to vector<2x128xi32>
    %swap3A_802 = vector.shape_cast %reshape3A_796 : vector<2x128xi32> to vector<1x2x128xi32>
    tpu.vector_store %arg5[%swap3A_797, %swap3A_798, %swap3A_799], %swap3A_802 {strides = array<i32>} : memref<1x16x128xi32, #tpu.memory_space<vmem>>, vector<1x2x128xi32>,
    %broadcast_in_dim3A_803 = vector.shape_cast %argmax3A_81 : vector<256xi32> to vector<256x1xi32>
    %eq3A_804 = vector.broadcast %iota3A : vector<1x2048xi32> to vector<256x2048xi32>
    %eq3A_805 = vector.broadcast %broadcast_in_dim3A_803 : vector<256x1xi32> to vector<256x2048xi32>
    %eq3A_806 = arith.cmpi eq, %eq3A_804, %eq3A_805 : vector<256x2048xi32>
    %jit3A_807 = arith.constant 0.000000e+00 : f32
    %broadcast_in_dim3A_808 = vector.shape_cast %concatenate3A_530 : vector<1x2048xf32> to vector<1x2048xf32>
    %broadcast_in_dim3A_809 = vector.broadcast %broadcast_in_dim3A_808 : vector<1x2048xf32> to vector<256x2048xf32>
    %broadcast_in_dim3A_810 = vector.broadcast %jit3A_807 : f32 to vector<256x2048xf32>
    %select_n3A_811 = arith.select %eq3A_806, %broadcast_in_dim3A_809, %broadcast_in_dim3A_810 : vector<256x2048xi1>, vector<256x2048xf32>
    %reduce_sum3A_812 = arith.constant dense<0.000000e+00> : vector<256xf32>
    %reduce_sum3A_813 = vector.multi_reduction <add>, %select_n3A_811, %reduce_sum3A_812 [1] : vector<256x2048xf32> to vector<256xf32>
    %lt3A_814 = arith.constant 1024 : i32
    %lt3A_815 = vector.broadcast %lt3A_814 : i32 to vector<256xi32>
    %lt3A_816 = arith.cmpi slt, %convert_element_type3A_245, %lt3A_815 : vector<256xi32>
    %jit3A_817 = arith.constant 1.000000e+00 : f32
    %broadcast_in_dim3A_818 = vector.broadcast %jit3A_817 : f32 to vector<256xf32>
    %select_n3A_819 = arith.select %lt3A_816, %reduce_sum3A_813, %broadcast_in_dim3A_818 : vector<256xi1>, vector<256xf32>
    %slice3A_820 = vector.extract_strided_slice %get3A_3 {offsets = [1536, 0], sizes = [256, 64], strides = [1, 1]} : vector<2048x64xf32> to vector<256x64xf32>
    %broadcast_in_dim3A_821 = vector.shape_cast %select_n3A_819 : vector<256xf32> to vector<256x1xf32>
    %mul3A_822 = vector.broadcast %broadcast_in_dim3A_821 : vector<256x1xf32> to vector<256x64xf32>
    %mul3A_823 = arith.mulf %slice3A_820, %mul3A_822 : vector<256x64xf32>
    %concatenate3A_824 = tpu.concatenate %mul3A_823, %broadcast_in_dim3A_532 in 1 : vector<256x64xf32>, vector<256x64xf32> -> vector<256x128xf32>
    %swap3A_825 = arith.constant 0 : index
    %swap3A_826 = arith.constant 1536 : index
    %swap3A_827 = arith.constant 0 : index
    %swap3A_828 = vector.load %arg3[%swap3A_825, %swap3A_826, %swap3A_827] : memref<1x2048x128xf32, #tpu.memory_space<vmem>>, vector<1x256x128xf32>
    %swap3A_829 = vector.shape_cast %swap3A_828 : vector<1x256x128xf32> to vector<256x128xf32>
    %swap3A_830 = vector.shape_cast %concatenate3A_824 : vector<256x128xf32> to vector<1x256x128xf32>
    tpu.vector_store %arg3[%swap3A_825, %swap3A_826, %swap3A_827], %swap3A_830 {strides = array<i32>} : memref<1x2048x128xf32, #tpu.memory_space<vmem>>, vector<1x256x128xf32>,
    %slice3A_831 = vector.extract_strided_slice %get3A_8 {offsets = [1536, 0], sizes = [256, 64], strides = [1, 1]} : vector<2048x64xf32> to vector<256x64xf32>
    %broadcast_in_dim3A_832 = vector.shape_cast %div3A_500 : vector<256xf32> to vector<256x1xf32>
    %mul3A_833 = vector.broadcast %broadcast_in_dim3A_832 : vector<256x1xf32> to vector<256x64xf32>
    %mul3A_834 = arith.mulf %slice3A_831, %mul3A_833 : vector<256x64xf32>
    %concatenate3A_835 = tpu.concatenate %mul3A_834, %broadcast_in_dim3A_532 in 1 : vector<256x64xf32>, vector<256x64xf32> -> vector<256x128xf32>
    %swap3A_836 = arith.constant 0 : index
    %swap3A_837 = arith.constant 1536 : index
    %swap3A_838 = arith.constant 0 : index
    %swap3A_839 = vector.load %arg4[%swap3A_836, %swap3A_837, %swap3A_838] : memref<1x2048x128xf32, #tpu.memory_space<vmem>>, vector<1x256x128xf32>
    %swap3A_840 = vector.shape_cast %swap3A_839 : vector<1x256x128xf32> to vector<256x128xf32>
    %swap3A_841 = vector.shape_cast %concatenate3A_835 : vector<256x128xf32> to vector<1x256x128xf32>
    tpu.vector_store %arg4[%swap3A_836, %swap3A_837, %swap3A_838], %swap3A_841 {strides = array<i32>} : memref<1x2048x128xf32, #tpu.memory_space<vmem>>, vector<1x256x128xf32>,
    %reshape3A_842 = vector.shape_cast %select_n3A_335 : vector<256xi32> to vector<2x128xi32>
    %swap3A_843 = arith.constant 0 : index
    %swap3A_844 = arith.constant 12 : index
    %swap3A_845 = arith.constant 0 : index
    %swap3A_846 = vector.load %arg5[%swap3A_843, %swap3A_844, %swap3A_845] : memref<1x16x128xi32, #tpu.memory_space<vmem>>, vector<1x2x128xi32>
    %swap3A_847 = vector.shape_cast %swap3A_846 : vector<1x2x128xi32> to vector<2x128xi32>
    %swap3A_848 = vector.shape_cast %reshape3A_842 : vector<2x128xi32> to vector<1x2x128xi32>
    tpu.vector_store %arg5[%swap3A_843, %swap3A_844, %swap3A_845], %swap3A_848 {strides = array<i32>} : memref<1x16x128xi32, #tpu.memory_space<vmem>>, vector<1x2x128xi32>,
    %broadcast_in_dim3A_849 = vector.shape_cast %argmax3A_91 : vector<256xi32> to vector<256x1xi32>
    %eq3A_850 = vector.broadcast %iota3A : vector<1x2048xi32> to vector<256x2048xi32>
    %eq3A_851 = vector.broadcast %broadcast_in_dim3A_849 : vector<256x1xi32> to vector<256x2048xi32>
    %eq3A_852 = arith.cmpi eq, %eq3A_850, %eq3A_851 : vector<256x2048xi32>
    %jit3A_853 = arith.constant 0.000000e+00 : f32
    %broadcast_in_dim3A_854 = vector.shape_cast %concatenate3A_530 : vector<1x2048xf32> to vector<1x2048xf32>
    %broadcast_in_dim3A_855 = vector.broadcast %broadcast_in_dim3A_854 : vector<1x2048xf32> to vector<256x2048xf32>
    %broadcast_in_dim3A_856 = vector.broadcast %jit3A_853 : f32 to vector<256x2048xf32>
    %select_n3A_857 = arith.select %eq3A_852, %broadcast_in_dim3A_855, %broadcast_in_dim3A_856 : vector<256x2048xi1>, vector<256x2048xf32>
    %reduce_sum3A_858 = arith.constant dense<0.000000e+00> : vector<256xf32>
    %reduce_sum3A_859 = vector.multi_reduction <add>, %select_n3A_857, %reduce_sum3A_858 [1] : vector<256x2048xf32> to vector<256xf32>
    %lt3A_860 = arith.constant 1024 : i32
    %lt3A_861 = vector.broadcast %lt3A_860 : i32 to vector<256xi32>
    %lt3A_862 = arith.cmpi slt, %convert_element_type3A_267, %lt3A_861 : vector<256xi32>
    %jit3A_863 = arith.constant 1.000000e+00 : f32
    %broadcast_in_dim3A_864 = vector.broadcast %jit3A_863 : f32 to vector<256xf32>
    %select_n3A_865 = arith.select %lt3A_862, %reduce_sum3A_859, %broadcast_in_dim3A_864 : vector<256xi1>, vector<256xf32>
    %slice3A_866 = vector.extract_strided_slice %get3A_3 {offsets = [1792, 0], sizes = [256, 64], strides = [1, 1]} : vector<2048x64xf32> to vector<256x64xf32>
    %broadcast_in_dim3A_867 = vector.shape_cast %select_n3A_865 : vector<256xf32> to vector<256x1xf32>
    %mul3A_868 = vector.broadcast %broadcast_in_dim3A_867 : vector<256x1xf32> to vector<256x64xf32>
    %mul3A_869 = arith.mulf %slice3A_866, %mul3A_868 : vector<256x64xf32>
    %concatenate3A_870 = tpu.concatenate %mul3A_869, %broadcast_in_dim3A_532 in 1 : vector<256x64xf32>, vector<256x64xf32> -> vector<256x128xf32>
    %swap3A_871 = arith.constant 0 : index
    %swap3A_872 = arith.constant 1792 : index
    %swap3A_873 = arith.constant 0 : index
    %swap3A_874 = vector.load %arg3[%swap3A_871, %swap3A_872, %swap3A_873] : memref<1x2048x128xf32, #tpu.memory_space<vmem>>, vector<1x256x128xf32>
    %swap3A_875 = vector.shape_cast %swap3A_874 : vector<1x256x128xf32> to vector<256x128xf32>
    %swap3A_876 = vector.shape_cast %concatenate3A_870 : vector<256x128xf32> to vector<1x256x128xf32>
    tpu.vector_store %arg3[%swap3A_871, %swap3A_872, %swap3A_873], %swap3A_876 {strides = array<i32>} : memref<1x2048x128xf32, #tpu.memory_space<vmem>>, vector<1x256x128xf32>,
    %slice3A_877 = vector.extract_strided_slice %get3A_8 {offsets = [1792, 0], sizes = [256, 64], strides = [1, 1]} : vector<2048x64xf32> to vector<256x64xf32>
    %broadcast_in_dim3A_878 = vector.shape_cast %div3A_521 : vector<256xf32> to vector<256x1xf32>
    %mul3A_879 = vector.broadcast %broadcast_in_dim3A_878 : vector<256x1xf32> to vector<256x64xf32>
    %mul3A_880 = arith.mulf %slice3A_877, %mul3A_879 : vector<256x64xf32>
    %concatenate3A_881 = tpu.concatenate %mul3A_880, %broadcast_in_dim3A_532 in 1 : vector<256x64xf32>, vector<256x64xf32> -> vector<256x128xf32>
    %swap3A_882 = arith.constant 0 : index
    %swap3A_883 = arith.constant 1792 : index
    %swap3A_884 = arith.constant 0 : index
    %swap3A_885 = vector.load %arg4[%swap3A_882, %swap3A_883, %swap3A_884] : memref<1x2048x128xf32, #tpu.memory_space<vmem>>, vector<1x256x128xf32>
    %swap3A_886 = vector.shape_cast %swap3A_885 : vector<1x256x128xf32> to vector<256x128xf32>
    %swap3A_887 = vector.shape_cast %concatenate3A_881 : vector<256x128xf32> to vector<1x256x128xf32>
    tpu.vector_store %arg4[%swap3A_882, %swap3A_883, %swap3A_884], %swap3A_887 {strides = array<i32>} : memref<1x2048x128xf32, #tpu.memory_space<vmem>>, vector<1x256x128xf32>,
    %reshape3A_888 = vector.shape_cast %select_n3A_345 : vector<256xi32> to vector<2x128xi32>
    %swap3A_889 = arith.constant 0 : index
    %swap3A_890 = arith.constant 14 : index
    %swap3A_891 = arith.constant 0 : index
    %swap3A_892 = vector.load %arg5[%swap3A_889, %swap3A_890, %swap3A_891] : memref<1x16x128xi32, #tpu.memory_space<vmem>>, vector<1x2x128xi32>
    %swap3A_893 = vector.shape_cast %swap3A_892 : vector<1x2x128xi32> to vector<2x128xi32>
    %swap3A_894 = vector.shape_cast %reshape3A_888 : vector<2x128xi32> to vector<1x2x128xi32>
    tpu.vector_store %arg5[%swap3A_889, %swap3A_890, %swap3A_891], %swap3A_894 {strides = array<i32>} : memref<1x16x128xi32, #tpu.memory_space<vmem>>, vector<1x2x128xi32>,
    return
  }
  func.func @transform_0(%arg0: i32) -> (i32, i32, i32) {
    %c0_i32 = arith.constant 0 : i32
    %c0_i32_0 = arith.constant 0 : i32
    %c0_i32_1 = arith.constant 0 : i32
    return %arg0, %c0_i32, %c0_i32_0 : i32, i32, i32
  }
  func.func @transform_1(%arg0: i32) -> (i32, i32, i32) {
    %c0_i32 = arith.constant 0 : i32
    %c0_i32_0 = arith.constant 0 : i32
    %c0_i32_1 = arith.constant 0 : i32
    return %arg0, %c0_i32, %c0_i32_0 : i32, i32, i32
  }
  func.func @transform_2(%arg0: i32) -> (i32, i32, i32) {
    %c0_i32 = arith.constant 0 : i32
    %c0_i32_0 = arith.constant 0 : i32
    %c0_i32_1 = arith.constant 0 : i32
    return %arg0, %c0_i32, %c0_i32_0 : i32, i32, i32
  }
  func.func @transform_3(%arg0: i32) -> (i32, i32, i32) {
    %c0_i32 = arith.constant 0 : i32
    %c0_i32_0 = arith.constant 0 : i32
    %c0_i32_1 = arith.constant 0 : i32
    return %arg0, %c0_i32, %c0_i32_0 : i32, i32, i32
  }
  func.func @transform_4(%arg0: i32) -> (i32, i32, i32) {
    %c0_i32 = arith.constant 0 : i32
    %c0_i32_0 = arith.constant 0 : i32
    %c0_i32_1 = arith.constant 0 : i32
    return %arg0, %c0_i32, %c0_i32_0 : i32, i32, i32
  }
}

</mosaic_0001>

<sc_bundles>
// kernel: kernel.4.cloned.1.call-start
scs
__scs_entry_jumppad:
0x0: {  	(pc) =	sbr.rel $0x88, $3  }
0x1: {  	(tag) =	ssettag $0x0;
	lr =	simm.s32 $0x1  }
0x2: {  	[smem:$0x3FA0] =	sst lr;
	_ =	strace $0xD0000000  }
0x3: {  	_ = 	snop  }
0x4: {  	_ = 	snop  }
0x5: {  	_ = 	snop  }
0x6: {  	_ = 	snop  }
0x7: {  	_ = 	snop  }
__scs_overlays_trampoline_lowered:
0x8: {  	[smem:$0x3FAF] =	sst s0  }
0x9: {  	[smem:$0x3FB0] =	sst s1  }
0xa: {  	[smem:$0x3FB1] =	sst s2  }
0xb: {  	[smem:$0x3FB2] =	sst s3  }
0xc: {  	[smem:$0x3FB3] =	sst s4  }
0xd: {  	[smem:$0x3FB4] =	sst s5  }
0xe: {  	[smem:$0x3FB5] =	sst s6  }
0xf: {  	[smem:$0x3FB6] =	sst s7  }
0x10: {  	[smem:$0x3FB7] =	sst s8  }
0x11: {  	[smem:$0x3FB8] =	sst s9;
	s0 =	simm.s32 @!p0 $0x0  }
0x12: {  	s1 =	sld [smem:$0x3F9E];
	s0 =	simm.s32 @p0 $0x1  }
0x13: {  	[smem:$0x3FB9] =	sst s0;
	s0 =	simm.s32 @!p1 $0x0  }
0x14: {  	s2 =	sld [smem:$0x3F9D];
	s0 =	simm.s32 @p1 $0x1  }
0x15: {  	[smem:$0x3FBA] =	sst s0;
	s0 =	simm.s32 @!p2 $0x0  }
0x16: {  	s3 =	sld [smem:$0x3FDB];
	s0 =	simm.s32 @p2 $0x1  }
0x17: {  	s4 =	simm.s32 $0x1BF5;
	[smem:$0x3FBC] =	sst s0  }
0x18: {  	s0 =	sld [smem:$0x3F9F];
	_ =	swait.ge [sflag:s4], $0x0  }
0x19: {  	s7 =	sld [smem:$0x3FA0]  }
0x1a: {  	s8 =	sadd.s32 $0xFFFFE003, lr  }
0x1b: {  	s9 =	sadd.s32 $0xFFFFFEF7, lr;
	s5 =	simm.s32 $0xFFFFFFFF;
	p2 =	slt.u32 s8, $0xFFFFF086  }
0x1c: {  	p1 =	slt.u32 s9, $0xF7A;
	s5 =	simm.s32 @!p2 $0x0  }
0x1d: {  	s5 =	simm.s32 @p1 $0x1;
	p0 =	seq.s32 s7, s2  }
0x1e: {  	s7 =	smul.u32 @!p0 $0xF7A, s2;
	p2 =	seq.s32 @!p0 s5, $0x0  }
0x1f: {  	s9 =	smul.u32 $0xF7A, s1;
	s8 =	simm.s32 @!p0 $0x1BF5;
	p2 =	por !p2, p0  }
0x20: {  	[sflag:s8] =	ssyncset.s32 @!p0 $0xFFFFF086;
	s6 =	sadd.s32 @!p0 s3, s7;
	s7 =	simm.s32 @!p0 $0x108  }
0x21: {  	s3 =	sadd.s32 s3, s9;
	s6 =	sadd.s32 @!p0 $0x88, s6;
	s7 =	simm.s32 @p2 $0x1082  }
0x22: {  	[simem:s7], [sflag:s8] =	dma.local @!p0 [hbm:s6], $0xF7A  }
0x23: {  	s9 =	sor.u32 $0xD0000000, s2;
	s6 =	simm.s32 $0x108;
	_ =	swait.ge @!p0 [sflag:s8], $0x0  }
0x24: {  	s3 =	sadd.s32 $0x88, s3;
	s6 =	simm.s32 @!p1 $0x1082;
	[sflag:s4] =	ssyncset.s32 $0xFFFFF086  }
0x25: {  	[simem:s6], [sflag:s4] =	dma.local [hbm:s3], $0xF7A  }
0x26: {  	[smem:$0x3FA0] =	sst s1;
	(tag) =	ssettag s2;
	_ =	strace s9  }
0x27: {  	s1 =	sld [smem:$0x3FB0]  }
0x28: {  	s2 =	sld [smem:$0x3FB1]  }
0x29: {  	s4 =	sld [smem:$0x3FB3]  }
0x2a: {  	p0 =	seq.s32 s5, $0x0;
	s5 =	sld [smem:$0x3FB4]  }
0x2b: {  	s6 =	sld [smem:$0x3FB5]  }
0x2c: {  	s7 =	sld [smem:$0x3FB6]  }
0x2d: {  	s3 =	simm.s32 $0x108;
	s8 =	sld [smem:$0x3FB7]  }
0x2e: {  	s3 =	simm.s32 @!p0 $0x1082;
	s9 =	sld [smem:$0x3FB8]  }
0x2f: {  	lr =	sadd.s32 s0, s3;
	s0 =	sld [smem:$0x3FAF]  }
0x30: {  	s3 =	sld [smem:$0x3FB2]  }
0x31: {  	[smem:$0x3FBB] =	sst s10  }
0x32: {  	s10 =	sld [smem:$0x3FB9];
	_ =	sdelay $0x3  }
0x33: {  	p0 =	seq.s32 s10, $0x1;
	s10 =	sld [smem:$0x3FBB];
	_ =	sdelay $0x3  }
0x34: {  	[smem:$0x3FBB] =	sst s10  }
0x35: {  	s10 =	sld [smem:$0x3FBA];
	_ =	sdelay $0x3  }
0x36: {  	p1 =	seq.s32 s10, $0x1;
	s10 =	sld [smem:$0x3FBB];
	_ =	sdelay $0x3  }
0x37: {  	[smem:$0x3FBB] =	sst s10  }
0x38: {  	s10 =	sld [smem:$0x3FBC]  }
0x39: {  	_ = 	snop;
	(pc) =	sbr.ind lr, $3  }
0x3a: {  	_ = 	snop  }
0x3b: {  	_ = 	snop  }
0x3c: {  	p2 =	seq.s32 s10, $0x1;
	s10 =	sld [smem:$0x3FBB]  }
0x3d: {  	_ =	shalt  }
0x3e: {  	_ =	shalt  }
0x3f: {  	_ =	shalt  }
0x40: {  	_ =	shalt  }
0x41: {  	_ =	shalt  }
0x42: {  	_ =	shalt  }
0x43: {  	_ =	shalt  }
0x44: {  	_ =	shalt  }
0x45: {  	_ =	shalt  }
0x46: {  	_ =	shalt  }
0x47: {  	_ =	shalt  }
0x48: {  	_ =	shalt  }
0x49: {  	_ =	shalt  }
0x4a: {  	_ =	shalt  }
0x4b: {  	_ =	shalt  }
0x4c: {  	_ =	shalt  }
0x4d: {  	_ =	shalt  }
0x4e: {  	_ =	shalt  }
0x4f: {  	_ =	shalt  }
0x50: {  	_ =	shalt  }
0x51: {  	_ =	shalt  }
0x52: {  	_ =	shalt  }
0x53: {  	_ =	shalt  }
0x54: {  	_ =	shalt  }
0x55: {  	_ =	shalt  }
0x56: {  	_ =	shalt  }
0x57: {  	_ =	shalt  }
0x58: {  	_ =	shalt  }
0x59: {  	_ =	shalt  }
0x5a: {  	_ =	shalt  }
0x5b: {  	_ =	shalt  }
0x5c: {  	_ =	shalt  }
0x5d: {  	_ =	shalt  }
0x5e: {  	_ =	shalt  }
0x5f: {  	_ =	shalt  }
0x60: {  	_ =	shalt  }
0x61: {  	_ =	shalt  }
0x62: {  	_ =	shalt  }
0x63: {  	_ =	shalt  }
0x64: {  	_ =	shalt  }
0x65: {  	_ =	shalt  }
0x66: {  	_ =	shalt  }
0x67: {  	_ =	shalt  }
0x68: {  	_ =	shalt  }
0x69: {  	_ =	shalt  }
0x6a: {  	_ =	shalt  }
0x6b: {  	_ =	shalt  }
0x6c: {  	_ =	shalt  }
0x6d: {  	_ =	shalt  }
0x6e: {  	_ =	shalt  }
0x6f: {  	_ =	shalt  }
0x70: {  	_ =	shalt  }
0x71: {  	_ =	shalt  }
0x72: {  	_ =	shalt  }
0x73: {  	_ =	shalt  }
0x74: {  	_ =	shalt  }
0x75: {  	_ =	shalt  }
0x76: {  	_ =	shalt  }
0x77: {  	_ =	shalt  }
0x78: {  	_ =	shalt  }
0x79: {  	_ =	shalt  }
0x7a: {  	_ =	shalt  }
0x7b: {  	_ =	shalt  }
0x7c: {  	_ =	shalt  }
0x7d: {  	_ =	shalt  }
0x7e: {  	_ =	shalt  }
0x7f: {  	_ =	shalt  }
0x80: {  	_ =	shalt  }
0x81: {  	_ =	shalt  }
0x82: {  	_ =	shalt  }
0x83: {  	_ =	shalt  }
0x84: {  	_ =	shalt  }
0x85: {  	_ =	shalt  }
0x86: {  	_ =	shalt  }
0x87: {  	_ =	shalt  }
.Lfunc_end0:
.L_simem_size_0:
called_computation_lowered:
.L_overlay_start_0:
0x88: {  	s2 =	sld [smem:$0x3FD9]  }
0x89: {  	s3 =	sld [smem:$0x3FFE];
	_ =	sdelay $0x1  }
0x8a: {  	s1 =	srdreg.scid  }
0x8b: {  	s0 =	sand.u32 $0x1, s1  }
0x8c: {  	s17 =	sshll.u32 s0, $0xA;
	s2 =	sadd.s32 s3, s2  }
0x8d: {  	s2 =	sadd.s32 s2, s17  }
0x8e: {  	[smem:$0x3FC7] =	sst s2  }
0x8f: {  	_ = 	snop  }
0x90: {  	s2 =	sld [smem:$0x3FD0];
	(tm) =	ssettm $0x1  }
0x91: {  	s18 =	sld [smem:$0x3FFB];
	_ =	sdelay $0x3  }
0x92: {  	_ =	strace s18  }
0x93: {  	s3 =	sld [smem:$0x3FFC];
	_ =	sdelay $0x3  }
0x94: {  	_ =	strace s3  }
0x95: {  	s3 =	sld [smem:$0x3FFD];
	_ =	sdelay $0x3  }
0x96: {  	_ =	strace s3  }
0x97: {  	_ =	strace $0x8FFFFFFF  }
0x98: {  	s19 =	sld [smem:$0x3FDB];
	_ =	sdelay $0x1  }
0x99: {  	s4 =	simm.s32 $_scs_section_size  }
0x9a: {  	s5 =	simm.s32 $_size__tile_overlayer_lowered;
	s6 =	simm.s32 $_tile_overlayer_lowered  }
0x9b: {  	s22 =	simm.s32 $0x1BFF;
	s21 =	sshll.u32 s6, $0x1;
	s3 =	sadd.s32 s4, s19  }
0x9c: {  	s7 =	simm.s32 $0x0;
	s20 =	sshll.u32 s5, $0x1;
	s5 =	sadd.s32 s21, s3  }
0x9d: {  	[timem:s7], [sflag:s22] =	dma.local [hbm:s5], s20  }
0x9e: {  	_ =	swait.ge [sflag:s22], s20  }
0x9f: {  	s4 =	ssub.s32 $0x0, s20;
	[sflag:s22] =	ssyncset.done $0x0  }
0xa0: {  	[sflag:s22] =	ssyncadd.s32 s4;
	_ =	sdelay $0x1  }
0xa1: {  	s23 =	simm.s32 $0x1B8B  }
0xa2: {  	_ =	swait.ge [sflag:s23], $0x1  }
0xa3: {  	[sflag:s23] =	ssyncset.done $0x0  }
0xa4: {  	s25 =	simm.s32 $0x1B8E;
	s24 =	sld [smem:$0x3FFE];
	[sflag:s23] =	ssyncadd.s32 $0xFFFFFFFF  }
0xa5: {  	s26 =	simm.s32 $execute0_lowered;
	[smem:$0x3FD2] =	sst s25  }
0xa6: {  	s5 =	sshll.u32 s26, $0x1;
	_ =	strace $0x80000046;
	[dreg:$0x1] =	wrdreg $0xFFFFFFFF  }
0xa7: {  	s28 =	simm.s32 $_size_execute0_lowered;
	s3 =	sadd.s32 s3, s5;
	[dreg:$0x0] =	wrdreg $0x0  }
0xa8: {  	s5 =	sshll.u32 s28, $0x1;
	[dreg:$0x2] =	wrdreg s3  }
0xa9: {  	[dreg:$0x3] =	wrdreg s5  }
0xaa: {  	[dreg:$0x4] =	wrdreg $0xC0  }
0xab: {  	_ =	task [dreg:s7], $0x5FFFF  }
0xac: {  	[dreg:$0x1] =	wrdreg $0xFFFFFFFF  }
0xad: {  	[dreg:$0x0] =	wrdreg $0x60  }
0xae: {  	[dreg:$0x2] =	wrdreg s24  }
0xaf: {  	[dreg:$0x3] =	wrdreg s2  }
0xb0: {  	[dreg:$0x4] =	wrdreg $0x42000  }
0xb1: {  	[dreg:$0x5] =	wrdreg $0x9  }
0xb2: {  	_ =	task.clear_ibuf [dreg:s7], $0x6FFFF;
	_ =	strace $0x90000046  }
0xb3: {  	s29 =	simm.s32 $0x9;
	_ =	strace $0x80000048  }
0xb4: {  	_ =	swait.ge [sflag:s29], $0x1  }
0xb5: {  	[sflag:s29] =	ssyncadd.s32 $0xFFFFFFFF  }
0xb6: {  	_ =	strace $0x90000048  }
0xb7: {  	_ =	sfence  }
0xb8: {  	s30 =	sld [smem:$0x0];
	_ =	sdelay $0x2  }
0xb9: {  	s31 =	sshll.u32 s1, $0xD;
	s1 =	sshrl.u32 s1, $0x2  }
0xba: {  	s3 =	sand.u32 $0x4000, s31;
	s1 =	sadd.s32 s1, s30  }
0xbb: {  	s0 =	sor.u32 s3, s0;
	s1 =	sshll.u32 s1, $0x11  }
0xbc: {  	s0 =	sor.u32 s1, s0  }
0xbd: {  	s0 =	sadd.s32 $0x8F2B, s0  }
0xbe: {  	[sflag:s0] =	ssyncadd.remote.s32 $0x1  }
0xbf: {  	_ =	sfence.sel $0xFFFF  }
0xc0: {  	[dreg:$0x0] =	wrdreg $0xFFFFFFFF;
	(pc) =	sbr.abs _section_cstart, $3  }
0xc1: {  	[dreg:$0x1] =	wrdreg $0xFFFFFFFF  }
0xc2: {  	_ =	task.clear_ibuf [dreg:s7], $0x2FFFF;
	_ =	strace $0x9FFFFFFF  }
0xc3: {  	(tm) =	ssettm $0x7FFFFFFF  }
tec
execute0_lowered:
.L_overlay_start_1:
0x0: {  	(tag) =	ssettag $0x1  }
0x1: {  	s31 =	rddreg [dreg:$0x0]  }
0x2: {  	s10 =	rddreg [dreg:$0x1]  }
0x3: {  	s0 =	rddreg [dreg:$0x2]  }
0x4: {  	s2 =	simm.s32 $0x0;
	s6 =	stileid.u32;
	s4 =	srdreg.scid  }
0x5: {  	[smem:$0x7FF] =	sst s2;
	s1 =	sshrl.u32 s6, $0x2;
	s8 =	sadd.s32 $0x800, s31  }
0x6: {  	s3 =	sadd.s32 $0x100800, s31;
	s4 =	sand.u32 $0x1, s4;
	s18 =	sand.u32 $0x3, s6  }
0x7: {  	s13 =	sshll.u32 s6, $0x6;
	_ =	strace $0x80000047;
	[dreg:$0x5] =	wrdreg s8  }
0x8: {  	s6 =	simm.s32 $0x1;
	s5 =	smul.u32 $0x181000, s1;
	[dreg:$0x4] =	wrdreg s4  }
0x9: {  	s4 =	sshll.u32 s4, $0x3;
	s12 =	sshll.u32 s18, $0xF;
	s24 =	sshll.u32 s18, $0x10  }
0xa: {  	s9 =	sshll.u32 s18, $0x9;
	s23 =	sor.u32 s1, s4;
	s5 =	sshrl.u32 s5, $0x2  }
0xb: {  	s22 =	sand.u32 $0x200, s9;
	s17 =	sshll.u32 s23, $0x12;
	s4 =	sadd.s32 s5, s0  }
0xc: {  	s21 =	sand.u32 $0x400, s9;
	s7 =	sor.u32 s24, s17;
	s0 =	sadd.s32 s12, s4  }
0xd: {  	s5 =	sor.u32 $0x1C01, s13;
	s11 =	sshrl.u32 s7, $0x3;
	s7 =	sshrl.u32 s0, $0x3  }
0xe: {  	[spmem:s7], [sflag:s5] =	dma.local [hbm:s3], $0x1000  }
0xf: {  	s16 =	sshll.u32 s23, $0xB;
	s14 =	sadd.s32 s24, s4;
	_ =	swait.ge [sflag:s6], $0x1000  }
0x10: {  	s15 =	sadd.s32 $0x20000, s14;
	s8 =	sadd.s32 s8, s11;
	[sflag:s6] =	ssyncset.done $0x0  }
0x11: {  	s0 =	sor.u32 s21, s16;
	s9 =	sshrl.u32 s15, $0x3;
	[sflag:s6] =	ssyncadd.s32 $0xFFFFF000  }
0x12: {  	[spmem:s9], [sflag:s5] =	dma.local [hbm:s8], $0x2000  }
0x13: {  	s0 =	sor.u32 s22, s0;
	_ =	swait.ge [sflag:s6], $0x2000  }
0x14: {  	s0 =	sshrl.u32 s0, $0x3;
	[sflag:s6] =	ssyncset.done $0x0  }
0x15: {  	s10 =	sadd.s32 s10, s0;
	[sflag:s6] =	ssyncadd.s32 $0xFFFFE000  }
0x16: {  	[tilespmem:s2], [sflag:$0x1] =	stream.linear.gather [hbm4b:s10+s2], $0x200, $0x38;
	[tilespmem:$0x1C300] =	vst v63  }
0x17: {  	_ =	swait.ge [sflag:s6], $0x200  }
0x18: {  	[sflag:s6] =	ssyncset.done $0x0  }
0x19: {  	s26 =	sadd.s32 $0x80800, s31;
	[sflag:s6] =	ssyncadd.s32 $0xFFFFFE00  }
0x1a: {  	s12 =	simm.s32 $0x200;
	s11 =	sadd.s32 s26, s11;
	[bflag:$0x0] =	sbarrier.arrive $0xFFFF  }
0x1b: {  	[tilespmem:s12], [sflag:$0x1] =	stream.linear.gather [hbm4b:s11+s2], $0x4000, $0x38;
	[tilespmem:$0x1C300] =	vst v63  }
0x1c: {  	_ =	swait.ge [sflag:s6], $0x4000  }
0x1d: {  	[sflag:s6] =	ssyncset.done $0x0  }
0x1e: {  	s30 =	sor.u32 $0x4000, s24;
	s13 =	simm.s32 $0x80;
	[sflag:s6] =	ssyncadd.s32 $0xFFFFC000  }
0x1f: {  	[spmem:s4] =	stream.indirect.scatter.add.f32 [tilespmem:s12], [sflag:$0x1], $0x80, s2, s13, $0xb8;
	[tilespmem:$0x1C300] =	vst v63  }
0x20: {  	s19 =	sor.u32 s30, s17;
	_ =	swait.ge [sflag:s6], $0x4000  }
0x21: {  	s0 =	sshrl.u32 s19, $0x3;
	[sflag:s6] =	ssyncset.done $0x0  }
0x22: {  	s14 =	sadd.s32 s26, s0;
	[sflag:s6] =	ssyncadd.s32 $0xFFFFC000  }
0x23: {  	[tilespmem:s12], [sflag:$0x1] =	stream.linear.gather [hbm4b:s14+s2], $0x4000, $0x38;
	[tilespmem:$0x1C300] =	vst v63  }
0x24: {  	_ =	swait.ge [sflag:s6], $0x4000  }
0x25: {  	[sflag:s6] =	ssyncset.done $0x0  }
0x26: {  	s25 =	sor.u32 $0x8000, s24;
	[sflag:s6] =	ssyncadd.s32 $0xFFFFC000  }
0x27: {  	[spmem:s4] =	stream.indirect.scatter.add.f32 [tilespmem:s12], [sflag:$0x1], $0x80, s13, s13, $0xb8;
	[tilespmem:$0x1C300] =	vst v63  }
0x28: {  	s20 =	sor.u32 s25, s17;
	_ =	swait.ge [sflag:s6], $0x4000  }
0x29: {  	s0 =	sshrl.u32 s20, $0x3;
	[sflag:s6] =	ssyncset.done $0x0  }
0x2a: {  	s15 =	sadd.s32 s26, s0;
	[sflag:s6] =	ssyncadd.s32 $0xFFFFC000  }
0x2b: {  	[tilespmem:s12], [sflag:$0x1] =	stream.linear.gather [hbm4b:s15+s2], $0x4000, $0x38;
	[tilespmem:$0x1C300] =	vst v63  }
0x2c: {  	_ =	swait.ge [sflag:s6], $0x4000  }
0x2d: {  	[sflag:s6] =	ssyncset.done $0x0  }
0x2e: {  	s28 =	sor.u32 $0xC000, s24;
	s16 =	simm.s32 $0x100;
	[sflag:s6] =	ssyncadd.s32 $0xFFFFC000  }
0x2f: {  	[spmem:s4] =	stream.indirect.scatter.add.f32 [tilespmem:s12], [sflag:$0x1], $0x80, s16, s13, $0xb8;
	[tilespmem:$0x1C300] =	vst v63  }
0x30: {  	s17 =	sor.u32 s28, s17;
	_ =	swait.ge [sflag:s6], $0x4000  }
0x31: {  	s17 =	sshrl.u32 s17, $0x3;
	[sflag:s6] =	ssyncset.done $0x0  }
0x32: {  	s17 =	sadd.s32 s26, s17;
	[sflag:s6] =	ssyncadd.s32 $0xFFFFC000  }
0x33: {  	[tilespmem:s12], [sflag:$0x1] =	stream.linear.gather [hbm4b:s17+s2], $0x4000, $0x38;
	[tilespmem:$0x1C300] =	vst v63  }
0x34: {  	s29 =	smul.u32 $0x18000, s18;
	_ =	swait.ge [sflag:s6], $0x4000  }
0x35: {  	s19 =	smul.u32 $0x60000, s23;
	[sflag:s6] =	ssyncset.done $0x0  }
0x36: {  	s20 =	smul.u32 $0x60000, s18;
	s18 =	simm.s32 $0x180;
	[sflag:s6] =	ssyncadd.s32 $0xFFFFC000  }
0x37: {  	[spmem:s4] =	stream.indirect.scatter.add.f32 [tilespmem:s12], [sflag:$0x1], $0x80, s18, s13, $0xb8;
	[tilespmem:$0x1C300] =	vst v63  }
0x38: {  	s31 =	sadd.s32 $0x101800, s31;
	_ =	swait.ge [sflag:s6], $0x4000  }
0x39: {  	s19 =	sadd.s32 s29, s19;
	s20 =	sshrl.u32 s20, $0x2;
	[sflag:s6] =	ssyncset.done $0x0  }
0x3a: {  	s19 =	sshrl.u32 s19, $0x3;
	s20 =	sadd.s32 s20, s4;
	[sflag:s6] =	ssyncadd.s32 $0xFFFFC000  }
0x3b: {  	s19 =	sadd.s32 s31, s19;
	s20 =	sshrl.u32 s20, $0x3;
	[bflag:$0x0] =	sbarrier.arrive $0xFFFF  }
0x3c: {  	[hbm:s19], [sflag:s5] =	dma.local [spmem:s20], $0x3000  }
0x3d: {  	_ =	swait.ge [sflag:s6], $0x3000  }
0x3e: {  	s1 =	sor.u32 $0x4, s23;
	[sflag:s6] =	ssyncset.done $0x0  }
0x3f: {  	s0 =	sshll.u32 s1, $0x12;
	[sflag:s6] =	ssyncadd.s32 $0xFFFFD000  }
0x40: {  	s24 =	sor.u32 s24, s0;
	[bflag:$0x0] =	sbarrier.arrive $0xFFFF  }
0x41: {  	[spmem:s7], [sflag:s5] =	dma.local [hbm:s3], $0x1000  }
0x42: {  	s23 =	sshrl.u32 s24, $0x3;
	s24 =	sshll.u32 s1, $0xB;
	_ =	swait.ge [sflag:s6], $0x1000  }
0x43: {  	s24 =	sor.u32 s21, s24;
	[sflag:s6] =	ssyncset.done $0x0;
	s21 =	rddreg [dreg:$0x5]  }
0x44: {  	s21 =	sadd.s32 s21, s23;
	[sflag:s6] =	ssyncadd.s32 $0xFFFFF000  }
0x45: {  	[spmem:s9], [sflag:s5] =	dma.local [hbm:s21], $0x2000  }
0x46: {  	_ =	swait.ge [sflag:s6], $0x2000  }
0x47: {  	s22 =	sor.u32 s22, s24;
	[sflag:s6] =	ssyncset.done $0x0  }
0x48: {  	s22 =	sshrl.u32 s22, $0x3;
	s24 =	rddreg [dreg:$0x1]  }
0x49: {  	[sflag:s6] =	ssyncadd.s32 $0xFFFFE000;
	s22 =	sadd.s32 s24, s22  }
0x4a: {  	[tilespmem:s2], [sflag:$0x1] =	stream.linear.gather [hbm4b:s22+s2], $0x200, $0x38;
	[tilespmem:$0x1C300] =	vst v63  }
0x4b: {  	_ =	swait.ge [sflag:s6], $0x200  }
0x4c: {  	[sflag:s6] =	ssyncset.done $0x0  }
0x4d: {  	[sflag:s6] =	ssyncadd.s32 $0xFFFFFE00  }
0x4e: {  	s23 =	sadd.s32 s26, s23;
	[bflag:$0x0] =	sbarrier.arrive $0xFFFF  }
0x4f: {  	[tilespmem:s12], [sflag:$0x1] =	stream.linear.gather [hbm4b:s23+s2], $0x4000, $0x38;
	[tilespmem:$0x1C300] =	vst v63  }
0x50: {  	_ =	swait.ge [sflag:s6], $0x4000  }
0x51: {  	[sflag:s6] =	ssyncset.done $0x0  }
0x52: {  	[sflag:s6] =	ssyncadd.s32 $0xFFFFC000  }
0x53: {  	[spmem:s4] =	stream.indirect.scatter.add.f32 [tilespmem:s12], [sflag:$0x1], $0x80, s2, s13, $0xb8;
	[tilespmem:$0x1C300] =	vst v63  }
0x54: {  	s30 =	sor.u32 s30, s0;
	_ =	swait.ge [sflag:s6], $0x4000  }
0x55: {  	s24 =	sshrl.u32 s30, $0x3;
	[sflag:s6] =	ssyncset.done $0x0  }
0x56: {  	s24 =	sadd.s32 s26, s24;
	[sflag:s6] =	ssyncadd.s32 $0xFFFFC000  }
0x57: {  	[tilespmem:s12], [sflag:$0x1] =	stream.linear.gather [hbm4b:s24+s2], $0x4000, $0x38;
	[tilespmem:$0x1C300] =	vst v63  }
0x58: {  	_ =	swait.ge [sflag:s6], $0x4000  }
0x59: {  	[sflag:s6] =	ssyncset.done $0x0  }
0x5a: {  	[sflag:s6] =	ssyncadd.s32 $0xFFFFC000  }
0x5b: {  	[spmem:s4] =	stream.indirect.scatter.add.f32 [tilespmem:s12], [sflag:$0x1], $0x80, s13, s13, $0xb8;
	[tilespmem:$0x1C300] =	vst v63  }
0x5c: {  	s25 =	sor.u32 s25, s0;
	_ =	swait.ge [sflag:s6], $0x4000  }
0x5d: {  	s25 =	sshrl.u32 s25, $0x3;
	[sflag:s6] =	ssyncset.done $0x0  }
0x5e: {  	s25 =	sadd.s32 s26, s25;
	[sflag:s6] =	ssyncadd.s32 $0xFFFFC000  }
0x5f: {  	[tilespmem:s12], [sflag:$0x1] =	stream.linear.gather [hbm4b:s25+s2], $0x4000, $0x38;
	[tilespmem:$0x1C300] =	vst v63  }
0x60: {  	_ =	swait.ge [sflag:s6], $0x4000  }
0x61: {  	[sflag:s6] =	ssyncset.done $0x0  }
0x62: {  	[sflag:s6] =	ssyncadd.s32 $0xFFFFC000  }
0x63: {  	[spmem:s4] =	stream.indirect.scatter.add.f32 [tilespmem:s12], [sflag:$0x1], $0x80, s16, s13, $0xb8;
	[tilespmem:$0x1C300] =	vst v63  }
0x64: {  	s0 =	sor.u32 s28, s0;
	_ =	swait.ge [sflag:s6], $0x4000  }
0x65: {  	s0 =	sshrl.u32 s0, $0x3;
	[sflag:s6] =	ssyncset.done $0x0  }
0x66: {  	s26 =	sadd.s32 s26, s0;
	[sflag:s6] =	ssyncadd.s32 $0xFFFFC000  }
0x67: {  	[tilespmem:s12], [sflag:$0x1] =	stream.linear.gather [hbm4b:s26+s2], $0x4000, $0x38;
	[tilespmem:$0x1C300] =	vst v63  }
0x68: {  	_ =	swait.ge [sflag:s6], $0x4000  }
0x69: {  	[sflag:s6] =	ssyncset.done $0x0;
	s30 =	rddreg [dreg:$0x4]  }
0x6a: {  	s0 =	smul.u32 $0x60000, s1;
	[sflag:s6] =	ssyncadd.s32 $0xFFFFC000;
	s1 =	ssub.s32 $0x2, s30  }
0x6b: {  	[spmem:s4] =	stream.indirect.scatter.add.f32 [tilespmem:s12], [sflag:$0x1], $0x80, s18, s13, $0xb8;
	[tilespmem:$0x1C300] =	vst v63  }
0x6c: {  	s0 =	sadd.s32 s29, s0;
	s28 =	sshrl.u32 s1, $0x1  }
0x6d: {  	s0 =	sshrl.u32 s0, $0x3;
	s1 =	ssub.s32 s1, s28  }
0x6e: {  	_ =	swait.ge [sflag:s6], $0x4000;
	s28 =	sadd.s32 s31, s0;
	s31 =	smax.u32 s1, $0x1  }
0x6f: {  	[sflag:s6] =	ssyncset.done $0x0;
	p0 =	sne.s32 s31, $0x1  }
.Ltmp0:
0x70: {  	[sflag:s6] =	ssyncadd.s32 $0xFFFFC000;
	(pc) =	sbr.rel @!p0 .LBB2_2-.Ltmp0, $4  }
0x71: {  	[bflag:$0x0] =	sbarrier.arrive $0xFFFF  }
0x72: {  	[hbm:s28], [sflag:s5] =	dma.local [spmem:s20], $0x3000  }
0x73: {  	_ =	swait.ge [sflag:s6], $0x3000  }
0x74: {  	s29 =	sadd.s32 $0xFFFFFFFF, s31;
	[sflag:s6] =	ssyncset.done $0x0  }
.LBB2_1:
0x75: {  	p0 =	sne.s32 s29, $0x1;
	s29 =	sadd.s32 $0xFFFFFFFF, s29;
	[sflag:s6] =	ssyncadd.s32 $0xFFFFD000  }
0x76: {  	[spmem:s7], [sflag:s5] =	dma.local [hbm:s3], $0x1000  }
0x77: {  	_ =	swait.ge [sflag:s6], $0x1000  }
0x78: {  	[sflag:s6] =	ssyncset.done $0x0  }
0x79: {  	[sflag:s6] =	ssyncadd.s32 $0xFFFFF000  }
0x7a: {  	[spmem:s9], [sflag:s5] =	dma.local [hbm:s8], $0x2000  }
0x7b: {  	_ =	swait.ge [sflag:s6], $0x2000  }
0x7c: {  	[sflag:s6] =	ssyncset.done $0x0  }
0x7d: {  	[sflag:s6] =	ssyncadd.s32 $0xFFFFE000  }
0x7e: {  	[tilespmem:s2], [sflag:$0x1] =	stream.linear.gather [hbm4b:s10+s2], $0x200, $0x38;
	[tilespmem:$0x1C300] =	vst v63  }
0x7f: {  	_ =	swait.ge [sflag:s6], $0x200  }
0x80: {  	[sflag:s6] =	ssyncset.done $0x0  }
0x81: {  	[sflag:s6] =	ssyncadd.s32 $0xFFFFFE00  }
0x82: {  	[bflag:$0x0] =	sbarrier.arrive $0xFFFF  }
0x83: {  	[tilespmem:s12], [sflag:$0x1] =	stream.linear.gather [hbm4b:s11+s2], $0x4000, $0x38;
	[tilespmem:$0x1C300] =	vst v63  }
0x84: {  	_ =	swait.ge [sflag:s6], $0x4000  }
0x85: {  	[sflag:s6] =	ssyncset.done $0x0  }
0x86: {  	[sflag:s6] =	ssyncadd.s32 $0xFFFFC000  }
0x87: {  	[spmem:s4] =	stream.indirect.scatter.add.f32 [tilespmem:s12], [sflag:$0x1], $0x80, s2, s13, $0xb8;
	[tilespmem:$0x1C300] =	vst v63  }
0x88: {  	_ =	swait.ge [sflag:s6], $0x4000  }
0x89: {  	[sflag:s6] =	ssyncset.done $0x0  }
0x8a: {  	[sflag:s6] =	ssyncadd.s32 $0xFFFFC000  }
0x8b: {  	[tilespmem:s12], [sflag:$0x1] =	stream.linear.gather [hbm4b:s14+s2], $0x4000, $0x38;
	[tilespmem:$0x1C300] =	vst v63  }
0x8c: {  	_ =	swait.ge [sflag:s6], $0x4000  }
0x8d: {  	[sflag:s6] =	ssyncset.done $0x0  }
0x8e: {  	[sflag:s6] =	ssyncadd.s32 $0xFFFFC000  }
0x8f: {  	[spmem:s4] =	stream.indirect.scatter.add.f32 [tilespmem:s12], [sflag:$0x1], $0x80, s13, s13, $0xb8;
	[tilespmem:$0x1C300] =	vst v63  }
0x90: {  	_ =	swait.ge [sflag:s6], $0x4000  }
0x91: {  	[sflag:s6] =	ssyncset.done $0x0  }
0x92: {  	[sflag:s6] =	ssyncadd.s32 $0xFFFFC000  }
0x93: {  	[tilespmem:s12], [sflag:$0x1] =	stream.linear.gather [hbm4b:s15+s2], $0x4000, $0x38;
	[tilespmem:$0x1C300] =	vst v63  }
0x94: {  	_ =	swait.ge [sflag:s6], $0x4000  }
0x95: {  	[sflag:s6] =	ssyncset.done $0x0  }
0x96: {  	[sflag:s6] =	ssyncadd.s32 $0xFFFFC000  }
0x97: {  	[spmem:s4] =	stream.indirect.scatter.add.f32 [tilespmem:s12], [sflag:$0x1], $0x80, s16, s13, $0xb8;
	[tilespmem:$0x1C300] =	vst v63  }
0x98: {  	_ =	swait.ge [sflag:s6], $0x4000  }
0x99: {  	[sflag:s6] =	ssyncset.done $0x0  }
0x9a: {  	[sflag:s6] =	ssyncadd.s32 $0xFFFFC000  }
0x9b: {  	[tilespmem:s12], [sflag:$0x1] =	stream.linear.gather [hbm4b:s17+s2], $0x4000, $0x38;
	[tilespmem:$0x1C300] =	vst v63  }
0x9c: {  	_ =	swait.ge [sflag:s6], $0x4000  }
0x9d: {  	[sflag:s6] =	ssyncset.done $0x0  }
0x9e: {  	[sflag:s6] =	ssyncadd.s32 $0xFFFFC000  }
0x9f: {  	[spmem:s4] =	stream.indirect.scatter.add.f32 [tilespmem:s12], [sflag:$0x1], $0x80, s18, s13, $0xb8;
	[tilespmem:$0x1C300] =	vst v63  }
0xa0: {  	_ =	swait.ge [sflag:s6], $0x4000  }
0xa1: {  	[sflag:s6] =	ssyncset.done $0x0  }
0xa2: {  	[sflag:s6] =	ssyncadd.s32 $0xFFFFC000  }
0xa3: {  	[bflag:$0x0] =	sbarrier.arrive $0xFFFF  }
0xa4: {  	[hbm:s19], [sflag:s5] =	dma.local [spmem:s20], $0x3000  }
0xa5: {  	_ =	swait.ge [sflag:s6], $0x3000  }
0xa6: {  	[sflag:s6] =	ssyncset.done $0x0  }
0xa7: {  	[sflag:s6] =	ssyncadd.s32 $0xFFFFD000  }
0xa8: {  	[bflag:$0x0] =	sbarrier.arrive $0xFFFF  }
0xa9: {  	[spmem:s7], [sflag:s5] =	dma.local [hbm:s3], $0x1000  }
0xaa: {  	_ =	swait.ge [sflag:s6], $0x1000  }
0xab: {  	[sflag:s6] =	ssyncset.done $0x0  }
0xac: {  	[sflag:s6] =	ssyncadd.s32 $0xFFFFF000  }
0xad: {  	[spmem:s9], [sflag:s5] =	dma.local [hbm:s21], $0x2000  }
0xae: {  	_ =	swait.ge [sflag:s6], $0x2000  }
0xaf: {  	[sflag:s6] =	ssyncset.done $0x0  }
0xb0: {  	[sflag:s6] =	ssyncadd.s32 $0xFFFFE000  }
0xb1: {  	[tilespmem:s2], [sflag:$0x1] =	stream.linear.gather [hbm4b:s22+s2], $0x200, $0x38;
	[tilespmem:$0x1C300] =	vst v63  }
0xb2: {  	_ =	swait.ge [sflag:s6], $0x200  }
0xb3: {  	[sflag:s6] =	ssyncset.done $0x0  }
0xb4: {  	[sflag:s6] =	ssyncadd.s32 $0xFFFFFE00  }
0xb5: {  	[bflag:$0x0] =	sbarrier.arrive $0xFFFF  }
0xb6: {  	[tilespmem:s12], [sflag:$0x1] =	stream.linear.gather [hbm4b:s23+s2], $0x4000, $0x38;
	[tilespmem:$0x1C300] =	vst v63  }
0xb7: {  	_ =	swait.ge [sflag:s6], $0x4000  }
0xb8: {  	[sflag:s6] =	ssyncset.done $0x0  }
0xb9: {  	[sflag:s6] =	ssyncadd.s32 $0xFFFFC000  }
0xba: {  	[spmem:s4] =	stream.indirect.scatter.add.f32 [tilespmem:s12], [sflag:$0x1], $0x80, s2, s13, $0xb8;
	[tilespmem:$0x1C300] =	vst v63  }
0xbb: {  	_ =	swait.ge [sflag:s6], $0x4000  }
0xbc: {  	[sflag:s6] =	ssyncset.done $0x0  }
0xbd: {  	[sflag:s6] =	ssyncadd.s32 $0xFFFFC000  }
0xbe: {  	[tilespmem:s12], [sflag:$0x1] =	stream.linear.gather [hbm4b:s24+s2], $0x4000, $0x38;
	[tilespmem:$0x1C300] =	vst v63  }
0xbf: {  	_ =	swait.ge [sflag:s6], $0x4000  }
0xc0: {  	[sflag:s6] =	ssyncset.done $0x0  }
0xc1: {  	[sflag:s6] =	ssyncadd.s32 $0xFFFFC000  }
0xc2: {  	[spmem:s4] =	stream.indirect.scatter.add.f32 [tilespmem:s12], [sflag:$0x1], $0x80, s13, s13, $0xb8;
	[tilespmem:$0x1C300] =	vst v63  }
0xc3: {  	_ =	swait.ge [sflag:s6], $0x4000  }
0xc4: {  	[sflag:s6] =	ssyncset.done $0x0  }
0xc5: {  	[sflag:s6] =	ssyncadd.s32 $0xFFFFC000  }
0xc6: {  	[tilespmem:s12], [sflag:$0x1] =	stream.linear.gather [hbm4b:s25+s2], $0x4000, $0x38;
	[tilespmem:$0x1C300] =	vst v63  }
0xc7: {  	_ =	swait.ge [sflag:s6], $0x4000  }
0xc8: {  	[sflag:s6] =	ssyncset.done $0x0  }
0xc9: {  	[sflag:s6] =	ssyncadd.s32 $0xFFFFC000  }
0xca: {  	[spmem:s4] =	stream.indirect.scatter.add.f32 [tilespmem:s12], [sflag:$0x1], $0x80, s16, s13, $0xb8;
	[tilespmem:$0x1C300] =	vst v63  }
0xcb: {  	_ =	swait.ge [sflag:s6], $0x4000  }
0xcc: {  	[sflag:s6] =	ssyncset.done $0x0  }
0xcd: {  	[sflag:s6] =	ssyncadd.s32 $0xFFFFC000  }
0xce: {  	[tilespmem:s12], [sflag:$0x1] =	stream.linear.gather [hbm4b:s26+s2], $0x4000, $0x38;
	[tilespmem:$0x1C300] =	vst v63  }
0xcf: {  	_ =	swait.ge [sflag:s6], $0x4000  }
0xd0: {  	[sflag:s6] =	ssyncset.done $0x0  }
0xd1: {  	[sflag:s6] =	ssyncadd.s32 $0xFFFFC000  }
0xd2: {  	[spmem:s4] =	stream.indirect.scatter.add.f32 [tilespmem:s12], [sflag:$0x1], $0x80, s18, s13, $0xb8;
	[tilespmem:$0x1C300] =	vst v63  }
0xd3: {  	_ =	swait.ge [sflag:s6], $0x4000  }
0xd4: {  	[sflag:s6] =	ssyncset.done $0x0  }
.Ltmp1:
0xd5: {  	[sflag:s6] =	ssyncadd.s32 $0xFFFFC000;
	(pc) =	sbr.rel @p0 .LBB2_1-.Ltmp1, $4  }
0xd6: {  	[bflag:$0x0] =	sbarrier.arrive $0xFFFF  }
0xd7: {  	[hbm:s28], [sflag:s5] =	dma.local [spmem:s20], $0x3000  }
0xd8: {  	_ =	swait.ge [sflag:s6], $0x3000  }
0xd9: {  	[sflag:s6] =	ssyncset.done $0x0  }
.LBB2_2:
0xda: {  	[sflag:s6] =	ssyncadd.s32 $0xFFFFD000  }
0xdb: {  	_ =	sfence.sel $0x180000  }
0xdc: {  	[bflag:$0x0] =	sbarrier.arrive $0xFFFF  }
0xdd: {  	_ =	strace $0x90000047  }
0xde: {  	s0 =	stileid.u32;
	[bflag:$0x2] =	sbarrier.arrive $0xFFFF  }
0xdf: {  	p0 =	sne.s32 s0, $0x0;
	s0 =	rddreg [dreg:$0x3]  }
0xe0: {  	s0 =	sadd.s32 @!p0 $0x100000, s0  }
0xe1: {  	[sflag:s0] =	ssyncadd.tile.s32 @!p0 $0x1;
	_ =	shalt  }
.Lfunc_end2:
_tile_overlayer_lowered:
.L_overlay_start_2:
0xe2: {  	(tag) =	ssettag $0x2  }
0xe3: {  	s0 =	rddreg [dreg:$0x0];
	s2 =	stileid.u32  }
0xe4: {  	s1 =	rddreg [dreg:$0x1];
	p0 =	sne.s32 s2, $0x0  }
0xe5: {  	s3 =	rddreg [dreg:$0x2];
	[bflag:$0x3] =	sbarrier.arrive $0xFFFF;
	s2 =	simm.s32 @!p0 $0x1C01  }
0xe6: {  	[timem:s3], [sflag:s2] =	dma.local @!p0 [hbm:s0], s1  }
0xe7: {  	s0 =	simm.s32 @!p0 $0x1  }
0xe8: {  	_ =	swait.ge @!p0 [sflag:s0], s1  }
0xe9: {  	s1 =	ssub.s32 @!p0 $0x0, s1;
	[sflag:s0] =	ssyncset.done @!p0 $0x0  }
0xea: {  	[sflag:s0] =	ssyncadd.s32 @!p0 s1  }
0xeb: {  	[bflag:$0x3] =	sbarrier.arrive $0xFFFF  }
0xec: {  	_ =	shalt  }

</sc_bundles>
